<compile_context>
chip_gen: v7x
topology: tpu7x:2x2x1
jax: 0.10.2.dev20260603
libtpu: 0.0.44.dev20260713+nightly
codegen_flags: <defaults>
</compile_context>

<pallas_src>
import functools

import jax
import jax.numpy as jnp
from jax import lax
from jax.experimental import pallas as pl
from jax.experimental.pallas import tpu as pltpu
from jax.experimental.pallas import tpu_sc as plsc

N_NODES = 10000
N_EDGES = 320000
EROWS = N_EDGES // 128
F = 64
C_IN = 128
HID = 256
NC, NS = 2, 16
NPAD = 10240
RPT = NPAD // NS


def _mesh():
    return plsc.VectorSubcoreMesh(core_axis_name="c", subcore_axis_name="s")


_DCHUNK = 1280
_DCH_PER_CORE = (N_EDGES // NC) // _DCHUNK


def _deg_body(dst_ref, ones_ref, zeros_ref, out_ref, idx_d, ones_v, acc):
    cid = lax.axis_index("c")
    sid = lax.axis_index("s")
    r0 = sid * RPT
    pltpu.sync_copy(zeros_ref.at[pl.ds(r0, RPT)], acc.at[pl.ds(r0, RPT)])
    pltpu.sync_copy(ones_ref, ones_v)
    plsc.subcore_barrier()
    base = cid * (N_EDGES // NC)
    iters = (_DCH_PER_CORE + NS - 1) // NS

    def body(rr, carry):
        c = sid + rr * NS

        @pl.when(c < _DCH_PER_CORE)
        def _go():
            pltpu.sync_copy(dst_ref.at[pl.ds(base + c * _DCHUNK, _DCHUNK)],
                            idx_d)
            pltpu.sync_copy(ones_v, acc.at[idx_d], add=True)

        return carry

    lax.fori_loop(0, iters, body, None)
    plsc.subcore_barrier()
    pltpu.sync_copy(acc.at[pl.ds(r0, RPT)],
                    out_ref.at[pl.ds(cid * NPAD + r0, RPT)])


_deg_call = pl.kernel(
    _deg_body,
    out_type=jax.ShapeDtypeStruct((NC * NPAD,), jnp.float32),
    mesh=_mesh(),
    scratch_types=[
        pltpu.VMEM((_DCHUNK,), jnp.int32),
        pltpu.VMEM((_DCHUNK,), jnp.float32),
        pltpu.VMEM_SHARED((NPAD,), jnp.float32),
    ],
)


_K = 2


def _agg_body(src_ref, dst_ref, g_ref, zeros_ref, out_ref,
              idx_sb, idx_db, rows0, rows1, acc, gsem, ssem):
    idx_s = [idx_sb.at[pl.ds(0, 128)], idx_sb.at[pl.ds(128, 128)]]
    idx_d = [idx_db.at[pl.ds(0, 128)], idx_db.at[pl.ds(128, 128)]]
    rows = [rows0, rows1]
    cid = lax.axis_index("c")
    sid = lax.axis_index("s")
    r0 = sid * RPT
    pltpu.sync_copy(zeros_ref.at[pl.ds(r0, RPT)], acc.at[pl.ds(r0, RPT)])
    plsc.subcore_barrier()
    half = EROWS // NC
    base = cid * half
    iters = (half + NS * _K - 1) // (NS * _K)

    def body(rr, carry):
        b0 = base + (sid + rr * NS) * _K
        prev = b0 - NS * _K
        for j in range(_K):
            @pl.when((prev >= base) & (prev + j < base + half))
            def _prev_drain(j=j):
                pltpu.make_async_copy(rows[j], acc.at[idx_d[j]],
                                      ssem).wait()
        @pl.when(b0 < base + half)
        def _load():
            pltpu.sync_copy(src_ref.at[pl.ds(b0 * 128, _K * 128)], idx_sb)
            pltpu.sync_copy(dst_ref.at[pl.ds(b0 * 128, _K * 128)], idx_db)

        for j in range(_K):
            @pl.when(b0 + j < base + half)
            def _start(j=j):
                pltpu.make_async_copy(g_ref.at[idx_s[j]], rows[j],
                                      gsem).start()
        for j in range(_K):
            @pl.when(b0 + j < base + half)
            def _scat(j=j):
                pltpu.make_async_copy(g_ref.at[idx_s[j]], rows[j],
                                      gsem).wait()
                pltpu.async_copy(rows[j], acc.at[idx_d[j]], ssem, add=True)
        return carry

    lax.fori_loop(0, iters, body, None)
    lastb = base + (sid + (iters - 1) * NS) * _K
    for j in range(_K):
        @pl.when(lastb + j < base + half)
        def _final_drain(j=j):
            pltpu.make_async_copy(rows[j], acc.at[idx_d[j]], ssem).wait()
    plsc.subcore_barrier()
    pltpu.sync_copy(acc.at[pl.ds(r0, RPT)],
                    out_ref.at[pl.ds(cid * NPAD + r0, RPT)])


_agg_call = pl.kernel(
    _agg_body,
    out_type=jax.ShapeDtypeStruct((NC * NPAD, C_IN), jnp.float32),
    mesh=_mesh(),
    scratch_types=(
        [pltpu.VMEM((_K * 128,), jnp.int32)] * 2
        + [pltpu.VMEM((128, C_IN), jnp.float32)] * 2
        + [pltpu.VMEM_SHARED((NPAD, C_IN), jnp.float32),
           pltpu.SemaphoreType.DMA,
           pltpu.SemaphoreType.DMA]
    ),
)


_RB = 1000
_NB = N_NODES // _RB


def _gscale_body(x_ref, w_ref, deg_ref, g_ref):
    h = jnp.dot(x_ref[...], w_ref[...], preferred_element_type=jnp.float32,
                precision=lax.Precision.DEFAULT)
    deg = deg_ref[0] + deg_ref[1] + 1.0
    g_ref[...] = h * lax.rsqrt(deg)


def _gscale_call(x, conv_w, degp):
    return pl.pallas_call(
        _gscale_body,
        grid=(_NB,),
        in_specs=[
            pl.BlockSpec((_RB, C_IN), lambda j: (j, 0)),
            pl.BlockSpec((C_IN, C_IN), lambda j: (0, 0)),
            pl.BlockSpec((NC, _RB, 1), lambda j: (0, j, 0)),
        ],
        out_specs=pl.BlockSpec((_RB, C_IN), lambda j: (j, 0)),
        out_shape=jax.ShapeDtypeStruct((N_NODES, C_IN), jnp.float32),
    )(x, conv_w, degp)


def _head_body(p_ref, g_ref, x_ref, deg_ref, cb_ref,
               w1_ref, b1_ref, w2_ref, b2_ref, w3_ref, b3_ref,
               conc_ref, act_ref):
    j = pl.program_id(0)
    p = p_ref[0] + p_ref[1]
    g = g_ref[...]
    deg = deg_ref[0] + deg_ref[1] + 1.0
    dis = lax.rsqrt(deg)
    conv = (p + g) * dis + cb_ref[...]
    h2 = jnp.maximum(conv, 0.0) + x_ref[...]
    m1 = jnp.dot(h2, w1_ref[...], preferred_element_type=jnp.float32,
                 precision=lax.Precision.DEFAULT) + b1_ref[...]
    m1 = jnp.where(m1 > 0, m1, 0.01 * m1)
    m2 = jnp.dot(m1, w2_ref[...], preferred_element_type=jnp.float32,
                 precision=lax.Precision.DEFAULT) + b2_ref[...]
    m2 = jnp.where(m2 > 0, m2, 0.01 * m2)
    z = jnp.dot(m2, w3_ref[...], preferred_element_type=jnp.float32,
                precision=lax.Precision.DEFAULT) + b3_ref[...]
    sp = jnp.maximum(z, 0.0) + jnp.log1p(jnp.exp(-jnp.abs(z)))
    conc_ref[...] = sp
    act_ref[pl.ds(j * _RB, _RB), :] = sp

    @pl.when(j == _NB - 1)
    def _norm():
        act_ref[...] = act_ref[...] / (jnp.sum(act_ref[...]) + 1e-5)


def _head_call(p, g, x, degp, cb, w1, b1, w2, b2, w3, b3):
    full = lambda shape: pl.BlockSpec(shape, lambda j: tuple(0 for _ in shape))
    return pl.pallas_call(
        _head_body,
        grid=(_NB,),
        in_specs=[
            pl.BlockSpec((NC, _RB, C_IN), lambda j: (0, j, 0)),
            pl.BlockSpec((_RB, C_IN), lambda j: (j, 0)),
            pl.BlockSpec((_RB, C_IN), lambda j: (j, 0)),
            pl.BlockSpec((NC, _RB, 1), lambda j: (0, j, 0)),
            full((1, C_IN)),
            full((C_IN, HID)),
            full((1, HID)),
            full((HID, HID)),
            full((1, HID)),
            full((HID, 1)),
            full((1, 1)),
        ],
        out_specs=[
            pl.BlockSpec((_RB, 1), lambda j: (j, 0)),
            pl.BlockSpec((N_NODES, 1), lambda j: (0, 0)),
        ],
        out_shape=[
            jax.ShapeDtypeStruct((N_NODES, 1), jnp.float32),
            jax.ShapeDtypeStruct((N_NODES, 1), jnp.float32),
        ],
    )(p, g, x, degp, cb, w1, b1, w2, b2, w3, b3)


def kernel(x, edge_index, conv_w, conv_b, lin1_w, lin1_b, lin2_w, lin2_b,
           lin3_w, lin3_b, deterministic):
    src = edge_index[0]
    dst = edge_index[1]
    ones128 = jnp.ones((_DCHUNK,), jnp.float32)
    zeros1 = jnp.zeros((NPAD,), jnp.float32)
    zerosw = jnp.zeros((NPAD, C_IN), jnp.float32)

    degp = _deg_call(dst, ones128, zeros1).reshape(NC, NPAD, 1)
    g = _gscale_call(x, conv_w, degp)
    pflat = _agg_call(src, dst, g, zerosw)
    p = pflat.reshape(NC, NPAD, C_IN)
    conc, act = _head_call(p, g, x, degp, conv_b.reshape(1, C_IN),
                           lin1_w, lin1_b.reshape(1, HID),
                           lin2_w, lin2_b.reshape(1, HID),
                           lin3_w, lin3_b.reshape(1, 1))
    return act.reshape(N_NODES), conc.reshape(1, N_NODES)

# --- scband reference (transcript-rebuilt; emitter-appended) ---
"""Pipeline reference for scband-gnnactor-14680198217817 (READ-ONLY COPY).

The authoritative reference and input builder live on the scoring server;
editing this copy changes nothing except your own understanding.
"""

import jax, jax.numpy as jnp
import numpy as np

N_NODES = 10000
N_EDGES = 320000
IN_CHANNELS = 128
HIDDEN = 256
ACT_DIM = 10000


def setup_inputs(seed: int = 0):
    key = jax.random.key(seed)
    ks = jax.random.split(key, 10)
    x = jax.random.normal(ks[0], (N_NODES, IN_CHANNELS), dtype=jnp.float32)
    edge_index = jax.random.randint(ks[1], (2, N_EDGES), 0, N_NODES, dtype=jnp.int32)
    s = 1.0 / np.sqrt(IN_CHANNELS)
    sh = 1.0 / np.sqrt(HIDDEN)
    conv_w = jax.random.normal(ks[2], (IN_CHANNELS, IN_CHANNELS), dtype=jnp.float32) * s
    conv_b = jnp.zeros((IN_CHANNELS,), dtype=jnp.float32)
    lin1_w = jax.random.normal(ks[3], (IN_CHANNELS, HIDDEN), dtype=jnp.float32) * s
    lin1_b = jnp.zeros((HIDDEN,), dtype=jnp.float32)
    lin2_w = jax.random.normal(ks[4], (HIDDEN, HIDDEN), dtype=jnp.float32) * sh
    lin2_b = jnp.zeros((HIDDEN,), dtype=jnp.float32)
    lin3_w = jax.random.normal(ks[5], (HIDDEN, 1), dtype=jnp.float32) * sh
    lin3_b = jnp.zeros((1,), dtype=jnp.float32)
    return {"x": x, "edge_index": edge_index, "conv_w": conv_w, "conv_b": conv_b, "lin1_w": lin1_w, "lin1_b": lin1_b, "lin2_w": lin2_w, "lin2_b": lin2_b, "lin3_w": lin3_w, "lin3_b": lin3_b, "deterministic": 1}


def gcn_conv(x, edge_index, w, b):
    n = x.shape[0]
    h = x @ w
    loop = jnp.arange(n, dtype=edge_index.dtype)
    src = jnp.concatenate([edge_index[0], loop])
    dst = jnp.concatenate([edge_index[1], loop])
    ones = jnp.ones((src.shape[0],), dtype=x.dtype)
    deg = jnp.zeros((n,), dtype=x.dtype).at[dst].add(ones)
    dis = jnp.where(deg > 0, jax.lax.rsqrt(jnp.maximum(deg, 1e-12)), 0.0)
    norm = dis[src] * dis[dst]
    msg = h[src] * norm[:, None]
    out = jnp.zeros_like(h).at[dst].add(msg)
    return out + b


def reference(x, edge_index, conv_w, conv_b, lin1_w, lin1_b, lin2_w, lin2_b, lin3_w, lin3_b, deterministic):
    out = jax.nn.relu(gcn_conv(x, edge_index, conv_w, conv_b))
    h = out + x
    h = h.reshape(-1, ACT_DIM, IN_CHANNELS)
    h = jax.nn.leaky_relu(h @ lin1_w + lin1_b)
    h = jax.nn.leaky_relu(h @ lin2_w + lin2_b)
    h = jax.nn.softplus(h @ lin3_w + lin3_b)
    concentration = h.squeeze(-1)
    action = (concentration / (concentration.sum() + 1e-05)).squeeze(0)
    return (action, concentration)

if __name__ == "__main__":
    import jax
    _d = setup_inputs()
    print(jax.jit(kernel)(*tuple(_d.values())))

</pallas_src>

<mosaic_0001>
#map = affine_map<(d0, d1) -> (0)>
#map1 = affine_map<(d0, d1) -> (0, 0)>
module attributes {stable_mosaic.version = 14 : i64} {
  func.func @_agg_body(%arg0: i32, %arg1: i32, %arg2: memref<320000xi32, #tpu.memory_space<hbm>>, %arg3: memref<320000xi32, #tpu.memory_space<hbm>>, %arg4: memref<10000x128xf32, #tpu.memory_space<hbm>>, %arg5: memref<10240x128xf32, #tpu.memory_space<hbm>>, %arg6: memref<20480x128xf32, #tpu.memory_space<hbm>>, %arg7: memref<256xi32, #tpu.memory_space<vmem>>, %arg8: memref<256xi32, #tpu.memory_space<vmem>>, %arg9: memref<128x128xf32, #tpu.memory_space<vmem>>, %arg10: memref<128x128xf32, #tpu.memory_space<vmem>>, %arg11: memref<10240x128xf32, #tpu.memory_space<vmem_shared>>, %arg12: memref<!tpu.dma_semaphore, #tpu.memory_space<semaphore_mem>>, %arg13: memref<!tpu.dma_semaphore, #tpu.memory_space<semaphore_mem>>) attributes {dimension_semantics = [#tpu.dimension_semantics<core_parallel>, #tpu.dimension_semantics<subcore_parallel>], iteration_bounds = array<i64: 2, 16>, scalar_prefetch = 0 : i64, scratch_operands = 7 : i64, tpu.core_type = #tpu.core_type<sc_vector_subcore>, window_params = [{transform_indices = #map}, {transform_indices = #map}, {transform_indices = #map1}, {transform_indices = #map1}, {transform_indices = #map1}]} {
    %mul3A = arith.constant 640 : i32
    %mul3A_0 = arith.muli %arg1, %mul3A : i32
    "tpu.region"() ({
      %run_scoped3A = tpu.sem_alloc : memref<!tpu.dma_semaphore, #tpu.memory_space<semaphore_mem>>
      %dma_start3A = arith.constant 0 : i32
      %dma_start3A_28 = tpu.memref_slice %arg11[%mul3A_0, %dma_start3A] : memref<10240x128xf32, #tpu.memory_space<vmem_shared>> -> memref<640x128xf32, #tpu.memory_space<vmem_shared>>
      %dma_start3A_29 = arith.constant 0 : i32
      %dma_start3A_30 = tpu.memref_slice %arg5[%mul3A_0, %dma_start3A_29] : memref<10240x128xf32, #tpu.memory_space<hbm>> -> memref<640x128xf32, #tpu.memory_space<hbm>>
      tpu.enqueue_dma source(%dma_start3A_30 : memref<640x128xf32, #tpu.memory_space<hbm>>) target(%dma_start3A_28 : memref<640x128xf32, #tpu.memory_space<vmem_shared>>) target_semaphore(%run_scoped3A : memref<!tpu.dma_semaphore, #tpu.memory_space<semaphore_mem>>)
      %dma_wait3A = arith.constant 0 : i32
      %dma_wait3A_31 = tpu.memref_slice %arg11[%mul3A_0, %dma_wait3A] : memref<10240x128xf32, #tpu.memory_space<vmem_shared>> -> memref<640x128xf32, #tpu.memory_space<vmem_shared>>
      %dma_wait3A_32 = arith.constant 0 : i32
      %dma_wait3A_33 = tpu.memref_slice %arg5[%mul3A_0, %dma_wait3A_32] : memref<10240x128xf32, #tpu.memory_space<hbm>> -> memref<640x128xf32, #tpu.memory_space<hbm>>
      tpu.wait_dma2 semaphore(%run_scoped3A : memref<!tpu.dma_semaphore, #tpu.memory_space<semaphore_mem>>) src(%dma_wait3A_33 : memref<640x128xf32, #tpu.memory_space<hbm>>) dst(%dma_wait3A_31 : memref<640x128xf32, #tpu.memory_space<vmem_shared>>)
      tpu.yield
    }) : () -> ()
    %barrier3A = arith.constant 0 : index
    tpu.barrier barrier_id(%barrier3A)
    %mul3A_1 = arith.constant 1250 : i32
    %mul3A_2 = arith.muli %arg0, %mul3A_1 : i32
    %scan3A = arith.constant 0 : i32
    %scan3A_3 = arith.constant 40 : i32
    %scan3A_4 = arith.addi %scan3A, %scan3A_3 : i32
    %scan3A_5 = arith.constant 1 : i32
    scf.for %scan3A_28 = %scan3A to %scan3A_4 step %scan3A_5  : i32 {
      %mul3A_29 = arith.constant 16 : i32
      %mul3A_30 = arith.muli %scan3A_28, %mul3A_29 : i32
      %add3A_31 = arith.addi %arg1, %mul3A_30 : i32
      %mul3A_32 = arith.constant 2 : i32
      %mul3A_33 = arith.muli %add3A_31, %mul3A_32 : i32
      %add3A_34 = arith.addi %mul3A_2, %mul3A_33 : i32
      %sub3A = arith.constant 32 : i32
      %sub3A_35 = arith.subi %add3A_34, %sub3A : i32
      %ge3A = arith.cmpi sge, %sub3A_35, %mul3A_2 : i32
      %add3A_36 = arith.constant 0 : i32
      %add3A_37 = arith.addi %sub3A_35, %add3A_36 : i32
      %add3A_38 = arith.constant 1250 : i32
      %add3A_39 = arith.addi %mul3A_2, %add3A_38 : i32
      %lt3A_40 = arith.cmpi slt, %add3A_37, %add3A_39 : i32
      %and3A = arith.andi %ge3A, %lt3A_40 : i1
      %convert_element_type3A_41 = arith.extui %and3A : i1 to i32
      %cond3A_42 = arith.constant 0 : i32
      %cond3A_43 = arith.cmpi ne, %convert_element_type3A_41, %cond3A_42 : i32
      scf.if %cond3A_43 {
        %dma_wait3A = arith.constant 0 : i32
        %dma_wait3A_92 = tpu.memref_slice %arg8[%dma_wait3A] : memref<256xi32, #tpu.memory_space<vmem>> -> memref<128xi32, #tpu.memory_space<vmem>>
        %dma_wait3A_93 = arith.constant 0 : i32
        %dma_wait3A_94 = arith.constant 0 : i32
        %dma_wait3A_95 = tpu.memref_slice %arg11[%dma_wait3A_93, %dma_wait3A_94] : memref<10240x128xf32, #tpu.memory_space<vmem_shared>> -> memref<10240x128xf32, #tpu.memory_space<vmem_shared>>
        tpu.wait_indirect_dma semaphore(%arg13 : memref<!tpu.dma_semaphore, #tpu.memory_space<semaphore_mem>>) src(%arg9 : memref<128x128xf32, #tpu.memory_space<vmem>>) dst(%dma_wait3A_95 : memref<10240x128xf32, #tpu.memory_space<vmem_shared>>)
      } else {
      }
      %ge3A_44 = arith.cmpi sge, %sub3A_35, %mul3A_2 : i32
      %add3A_45 = arith.constant 1 : i32
      %add3A_46 = arith.addi %sub3A_35, %add3A_45 : i32
      %add3A_47 = arith.constant 1250 : i32
      %add3A_48 = arith.addi %mul3A_2, %add3A_47 : i32
      %lt3A_49 = arith.cmpi slt, %add3A_46, %add3A_48 : i32
      %and3A_50 = arith.andi %ge3A_44, %lt3A_49 : i1
      %convert_element_type3A_51 = arith.extui %and3A_50 : i1 to i32
      %cond3A_52 = arith.constant 0 : i32
      %cond3A_53 = arith.cmpi ne, %convert_element_type3A_51, %cond3A_52 : i32
      scf.if %cond3A_53 {
        %dma_wait3A = arith.constant 128 : i32
        %dma_wait3A_92 = tpu.memref_slice %arg8[%dma_wait3A] : memref<256xi32, #tpu.memory_space<vmem>> -> memref<128xi32, #tpu.memory_space<vmem>>
        %dma_wait3A_93 = arith.constant 0 : i32
        %dma_wait3A_94 = arith.constant 0 : i32
        %dma_wait3A_95 = tpu.memref_slice %arg11[%dma_wait3A_93, %dma_wait3A_94] : memref<10240x128xf32, #tpu.memory_space<vmem_shared>> -> memref<10240x128xf32, #tpu.memory_space<vmem_shared>>
        tpu.wait_indirect_dma semaphore(%arg13 : memref<!tpu.dma_semaphore, #tpu.memory_space<semaphore_mem>>) src(%arg10 : memref<128x128xf32, #tpu.memory_space<vmem>>) dst(%dma_wait3A_95 : memref<10240x128xf32, #tpu.memory_space<vmem_shared>>)
      } else {
      }
      %add3A_54 = arith.constant 1250 : i32
      %add3A_55 = arith.addi %mul3A_2, %add3A_54 : i32
      %lt3A_56 = arith.cmpi slt, %add3A_34, %add3A_55 : i32
      %convert_element_type3A_57 = arith.extui %lt3A_56 : i1 to i32
      %cond3A_58 = arith.constant 0 : i32
      %cond3A_59 = arith.cmpi ne, %convert_element_type3A_57, %cond3A_58 : i32
      scf.if %cond3A_59 {
        %mul3A_92 = arith.constant 128 : i32
        %mul3A_93 = arith.muli %add3A_34, %mul3A_92 : i32
        "tpu.region"() ({
          %run_scoped3A = tpu.sem_alloc : memref<!tpu.dma_semaphore, #tpu.memory_space<semaphore_mem>>
          %dma_start3A = tpu.memref_slice %arg2[%mul3A_93] : memref<320000xi32, #tpu.memory_space<hbm>> -> memref<256xi32, #tpu.memory_space<hbm>>
          %dma_start3A_96 = tpu.memref_slice %arg2[%mul3A_93] : memref<320000xi32, #tpu.memory_space<hbm>> -> memref<256xi32, #tpu.memory_space<hbm>>
          tpu.enqueue_dma source(%dma_start3A_96 : memref<256xi32, #tpu.memory_space<hbm>>) target(%arg7 : memref<256xi32, #tpu.memory_space<vmem>>) target_semaphore(%run_scoped3A : memref<!tpu.dma_semaphore, #tpu.memory_space<semaphore_mem>>)
          %dma_wait3A = tpu.memref_slice %arg2[%mul3A_93] : memref<320000xi32, #tpu.memory_space<hbm>> -> memref<256xi32, #tpu.memory_space<hbm>>
          %dma_wait3A_97 = tpu.memref_slice %arg2[%mul3A_93] : memref<320000xi32, #tpu.memory_space<hbm>> -> memref<256xi32, #tpu.memory_space<hbm>>
          tpu.wait_dma2 semaphore(%run_scoped3A : memref<!tpu.dma_semaphore, #tpu.memory_space<semaphore_mem>>) src(%dma_wait3A_97 : memref<256xi32, #tpu.memory_space<hbm>>) dst(%arg7 : memref<256xi32, #tpu.memory_space<vmem>>)
          tpu.yield
        }) : () -> ()
        %mul3A_94 = arith.constant 128 : i32
        %mul3A_95 = arith.muli %add3A_34, %mul3A_94 : i32
        "tpu.region"() ({
          %run_scoped3A = tpu.sem_alloc : memref<!tpu.dma_semaphore, #tpu.memory_space<semaphore_mem>>
          %dma_start3A = tpu.memref_slice %arg3[%mul3A_95] : memref<320000xi32, #tpu.memory_space<hbm>> -> memref<256xi32, #tpu.memory_space<hbm>>
          %dma_start3A_96 = tpu.memref_slice %arg3[%mul3A_95] : memref<320000xi32, #tpu.memory_space<hbm>> -> memref<256xi32, #tpu.memory_space<hbm>>
          tpu.enqueue_dma source(%dma_start3A_96 : memref<256xi32, #tpu.memory_space<hbm>>) target(%arg8 : memref<256xi32, #tpu.memory_space<vmem>>) target_semaphore(%run_scoped3A : memref<!tpu.dma_semaphore, #tpu.memory_space<semaphore_mem>>)
          %dma_wait3A = tpu.memref_slice %arg3[%mul3A_95] : memref<320000xi32, #tpu.memory_space<hbm>> -> memref<256xi32, #tpu.memory_space<hbm>>
          %dma_wait3A_97 = tpu.memref_slice %arg3[%mul3A_95] : memref<320000xi32, #tpu.memory_space<hbm>> -> memref<256xi32, #tpu.memory_space<hbm>>
          tpu.wait_dma2 semaphore(%run_scoped3A : memref<!tpu.dma_semaphore, #tpu.memory_space<semaphore_mem>>) src(%dma_wait3A_97 : memref<256xi32, #tpu.memory_space<hbm>>) dst(%arg8 : memref<256xi32, #tpu.memory_space<vmem>>)
          tpu.yield
        }) : () -> ()
      } else {
      }
      %add3A_60 = arith.constant 0 : i32
      %add3A_61 = arith.addi %add3A_34, %add3A_60 : i32
      %add3A_62 = arith.constant 1250 : i32
      %add3A_63 = arith.addi %mul3A_2, %add3A_62 : i32
      %lt3A_64 = arith.cmpi slt, %add3A_61, %add3A_63 : i32
      %convert_element_type3A_65 = arith.extui %lt3A_64 : i1 to i32
      %cond3A_66 = arith.constant 0 : i32
      %cond3A_67 = arith.cmpi ne, %convert_element_type3A_65, %cond3A_66 : i32
      scf.if %cond3A_67 {
        %dma_start3A = arith.constant 0 : i32
        %dma_start3A_92 = tpu.memref_slice %arg7[%dma_start3A] : memref<256xi32, #tpu.memory_space<vmem>> -> memref<128xi32, #tpu.memory_space<vmem>>
        %dma_start3A_93 = arith.constant 0 : i32
        %dma_start3A_94 = arith.constant 0 : i32
        %dma_start3A_95 = tpu.memref_slice %arg4[%dma_start3A_93, %dma_start3A_94] : memref<10000x128xf32, #tpu.memory_space<hbm>> -> memref<10000x128xf32, #tpu.memory_space<hbm>>
        tpu.enqueue_indirect_dma source(%dma_start3A_95 : memref<10000x128xf32, #tpu.memory_space<hbm>>) target(%arg9 : memref<128x128xf32, #tpu.memory_space<vmem>>) offsets(%dma_start3A_92 : memref<128xi32, #tpu.memory_space<vmem>>) semaphore(%arg12 : memref<!tpu.dma_semaphore, #tpu.memory_space<semaphore_mem>>)
      } else {
      }
      %add3A_68 = arith.constant 1 : i32
      %add3A_69 = arith.addi %add3A_34, %add3A_68 : i32
      %add3A_70 = arith.constant 1250 : i32
      %add3A_71 = arith.addi %mul3A_2, %add3A_70 : i32
      %lt3A_72 = arith.cmpi slt, %add3A_69, %add3A_71 : i32
      %convert_element_type3A_73 = arith.extui %lt3A_72 : i1 to i32
      %cond3A_74 = arith.constant 0 : i32
      %cond3A_75 = arith.cmpi ne, %convert_element_type3A_73, %cond3A_74 : i32
      scf.if %cond3A_75 {
        %dma_start3A = arith.constant 128 : i32
        %dma_start3A_92 = tpu.memref_slice %arg7[%dma_start3A] : memref<256xi32, #tpu.memory_space<vmem>> -> memref<128xi32, #tpu.memory_space<vmem>>
        %dma_start3A_93 = arith.constant 0 : i32
        %dma_start3A_94 = arith.constant 0 : i32
        %dma_start3A_95 = tpu.memref_slice %arg4[%dma_start3A_93, %dma_start3A_94] : memref<10000x128xf32, #tpu.memory_space<hbm>> -> memref<10000x128xf32, #tpu.memory_space<hbm>>
        tpu.enqueue_indirect_dma source(%dma_start3A_95 : memref<10000x128xf32, #tpu.memory_space<hbm>>) target(%arg10 : memref<128x128xf32, #tpu.memory_space<vmem>>) offsets(%dma_start3A_92 : memref<128xi32, #tpu.memory_space<vmem>>) semaphore(%arg12 : memref<!tpu.dma_semaphore, #tpu.memory_space<semaphore_mem>>)
      } else {
      }
      %add3A_76 = arith.constant 0 : i32
      %add3A_77 = arith.addi %add3A_34, %add3A_76 : i32
      %add3A_78 = arith.constant 1250 : i32
      %add3A_79 = arith.addi %mul3A_2, %add3A_78 : i32
      %lt3A_80 = arith.cmpi slt, %add3A_77, %add3A_79 : i32
      %convert_element_type3A_81 = arith.extui %lt3A_80 : i1 to i32
      %cond3A_82 = arith.constant 0 : i32
      %cond3A_83 = arith.cmpi ne, %convert_element_type3A_81, %cond3A_82 : i32
      scf.if %cond3A_83 {
        %dma_wait3A = arith.constant 0 : i32
        %dma_wait3A_92 = tpu.memref_slice %arg7[%dma_wait3A] : memref<256xi32, #tpu.memory_space<vmem>> -> memref<128xi32, #tpu.memory_space<vmem>>
        %dma_wait3A_93 = arith.constant 0 : i32
        %dma_wait3A_94 = arith.constant 0 : i32
        %dma_wait3A_95 = tpu.memref_slice %arg4[%dma_wait3A_93, %dma_wait3A_94] : memref<10000x128xf32, #tpu.memory_space<hbm>> -> memref<10000x128xf32, #tpu.memory_space<hbm>>
        tpu.wait_indirect_dma semaphore(%arg12 : memref<!tpu.dma_semaphore, #tpu.memory_space<semaphore_mem>>) src(%dma_wait3A_95 : memref<10000x128xf32, #tpu.memory_space<hbm>>) dst(%arg9 : memref<128x128xf32, #tpu.memory_space<vmem>>)
        %dma_start3A = arith.constant 0 : i32
        %dma_start3A_96 = tpu.memref_slice %arg8[%dma_start3A] : memref<256xi32, #tpu.memory_space<vmem>> -> memref<128xi32, #tpu.memory_space<vmem>>
        %dma_start3A_97 = arith.constant 0 : i32
        %dma_start3A_98 = arith.constant 0 : i32
        %dma_start3A_99 = tpu.memref_slice %arg11[%dma_start3A_97, %dma_start3A_98] : memref<10240x128xf32, #tpu.memory_space<vmem_shared>> -> memref<10240x128xf32, #tpu.memory_space<vmem_shared>>
        tpu.enqueue_indirect_dma source(%arg9 : memref<128x128xf32, #tpu.memory_space<vmem>>) target(%dma_start3A_99 : memref<10240x128xf32, #tpu.memory_space<vmem_shared>>) offsets(%dma_start3A_96 : memref<128xi32, #tpu.memory_space<vmem>>) semaphore(%arg13 : memref<!tpu.dma_semaphore, #tpu.memory_space<semaphore_mem>>) {add = true}
      } else {
      }
      %add3A_84 = arith.constant 1 : i32
      %add3A_85 = arith.addi %add3A_34, %add3A_84 : i32
      %add3A_86 = arith.constant 1250 : i32
      %add3A_87 = arith.addi %mul3A_2, %add3A_86 : i32
      %lt3A_88 = arith.cmpi slt, %add3A_85, %add3A_87 : i32
      %convert_element_type3A_89 = arith.extui %lt3A_88 : i1 to i32
      %cond3A_90 = arith.constant 0 : i32
      %cond3A_91 = arith.cmpi ne, %convert_element_type3A_89, %cond3A_90 : i32
      scf.if %cond3A_91 {
        %dma_wait3A = arith.constant 128 : i32
        %dma_wait3A_92 = tpu.memref_slice %arg7[%dma_wait3A] : memref<256xi32, #tpu.memory_space<vmem>> -> memref<128xi32, #tpu.memory_space<vmem>>
        %dma_wait3A_93 = arith.constant 0 : i32
        %dma_wait3A_94 = arith.constant 0 : i32
        %dma_wait3A_95 = tpu.memref_slice %arg4[%dma_wait3A_93, %dma_wait3A_94] : memref<10000x128xf32, #tpu.memory_space<hbm>> -> memref<10000x128xf32, #tpu.memory_space<hbm>>
        tpu.wait_indirect_dma semaphore(%arg12 : memref<!tpu.dma_semaphore, #tpu.memory_space<semaphore_mem>>) src(%dma_wait3A_95 : memref<10000x128xf32, #tpu.memory_space<hbm>>) dst(%arg10 : memref<128x128xf32, #tpu.memory_space<vmem>>)
        %dma_start3A = arith.constant 128 : i32
        %dma_start3A_96 = tpu.memref_slice %arg8[%dma_start3A] : memref<256xi32, #tpu.memory_space<vmem>> -> memref<128xi32, #tpu.memory_space<vmem>>
        %dma_start3A_97 = arith.constant 0 : i32
        %dma_start3A_98 = arith.constant 0 : i32
        %dma_start3A_99 = tpu.memref_slice %arg11[%dma_start3A_97, %dma_start3A_98] : memref<10240x128xf32, #tpu.memory_space<vmem_shared>> -> memref<10240x128xf32, #tpu.memory_space<vmem_shared>>
        tpu.enqueue_indirect_dma source(%arg10 : memref<128x128xf32, #tpu.memory_space<vmem>>) target(%dma_start3A_99 : memref<10240x128xf32, #tpu.memory_space<vmem_shared>>) offsets(%dma_start3A_96 : memref<128xi32, #tpu.memory_space<vmem>>) semaphore(%arg13 : memref<!tpu.dma_semaphore, #tpu.memory_space<semaphore_mem>>) {add = true}
      } else {
      }
    }
    %scan3A_6 = arith.constant 40 : i32
    %add3A = arith.constant 624 : i32
    %add3A_7 = arith.addi %arg1, %add3A : i32
    %mul3A_8 = arith.constant 2 : i32
    %mul3A_9 = arith.muli %add3A_7, %mul3A_8 : i32
    %add3A_10 = arith.addi %mul3A_2, %mul3A_9 : i32
    %add3A_11 = arith.constant 0 : i32
    %add3A_12 = arith.addi %add3A_10, %add3A_11 : i32
    %add3A_13 = arith.constant 1250 : i32
    %add3A_14 = arith.addi %mul3A_2, %add3A_13 : i32
    %lt3A = arith.cmpi slt, %add3A_12, %add3A_14 : i32
    %convert_element_type3A = arith.extui %lt3A : i1 to i32
    %cond3A = arith.constant 0 : i32
    %cond3A_15 = arith.cmpi ne, %convert_element_type3A, %cond3A : i32
    scf.if %cond3A_15 {
      %dma_wait3A = arith.constant 0 : i32
      %dma_wait3A_28 = tpu.memref_slice %arg8[%dma_wait3A] : memref<256xi32, #tpu.memory_space<vmem>> -> memref<128xi32, #tpu.memory_space<vmem>>
      %dma_wait3A_29 = arith.constant 0 : i32
      %dma_wait3A_30 = arith.constant 0 : i32
      %dma_wait3A_31 = tpu.memref_slice %arg11[%dma_wait3A_29, %dma_wait3A_30] : memref<10240x128xf32, #tpu.memory_space<vmem_shared>> -> memref<10240x128xf32, #tpu.memory_space<vmem_shared>>
      tpu.wait_indirect_dma semaphore(%arg13 : memref<!tpu.dma_semaphore, #tpu.memory_space<semaphore_mem>>) src(%arg9 : memref<128x128xf32, #tpu.memory_space<vmem>>) dst(%dma_wait3A_31 : memref<10240x128xf32, #tpu.memory_space<vmem_shared>>)
    } else {
    }
    %add3A_16 = arith.constant 1 : i32
    %add3A_17 = arith.addi %add3A_10, %add3A_16 : i32
    %add3A_18 = arith.constant 1250 : i32
    %add3A_19 = arith.addi %mul3A_2, %add3A_18 : i32
    %lt3A_20 = arith.cmpi slt, %add3A_17, %add3A_19 : i32
    %convert_element_type3A_21 = arith.extui %lt3A_20 : i1 to i32
    %cond3A_22 = arith.constant 0 : i32
    %cond3A_23 = arith.cmpi ne, %convert_element_type3A_21, %cond3A_22 : i32
    scf.if %cond3A_23 {
      %dma_wait3A = arith.constant 128 : i32
      %dma_wait3A_28 = tpu.memref_slice %arg8[%dma_wait3A] : memref<256xi32, #tpu.memory_space<vmem>> -> memref<128xi32, #tpu.memory_space<vmem>>
      %dma_wait3A_29 = arith.constant 0 : i32
      %dma_wait3A_30 = arith.constant 0 : i32
      %dma_wait3A_31 = tpu.memref_slice %arg11[%dma_wait3A_29, %dma_wait3A_30] : memref<10240x128xf32, #tpu.memory_space<vmem_shared>> -> memref<10240x128xf32, #tpu.memory_space<vmem_shared>>
      tpu.wait_indirect_dma semaphore(%arg13 : memref<!tpu.dma_semaphore, #tpu.memory_space<semaphore_mem>>) src(%arg10 : memref<128x128xf32, #tpu.memory_space<vmem>>) dst(%dma_wait3A_31 : memref<10240x128xf32, #tpu.memory_space<vmem_shared>>)
    } else {
    }
    %barrier3A_24 = arith.constant 0 : index
    tpu.barrier barrier_id(%barrier3A_24)
    %mul3A_25 = arith.constant 10240 : i32
    %mul3A_26 = arith.muli %arg0, %mul3A_25 : i32
    %add3A_27 = arith.addi %mul3A_26, %mul3A_0 : i32
    "tpu.region"() ({
      %run_scoped3A = tpu.sem_alloc : memref<!tpu.dma_semaphore, #tpu.memory_space<semaphore_mem>>
      %dma_start3A = arith.constant 0 : i32
      %dma_start3A_28 = tpu.memref_slice %arg6[%add3A_27, %dma_start3A] : memref<20480x128xf32, #tpu.memory_space<hbm>> -> memref<640x128xf32, #tpu.memory_space<hbm>>
      %dma_start3A_29 = arith.constant 0 : i32
      %dma_start3A_30 = tpu.memref_slice %arg11[%mul3A_0, %dma_start3A_29] : memref<10240x128xf32, #tpu.memory_space<vmem_shared>> -> memref<640x128xf32, #tpu.memory_space<vmem_shared>>
      tpu.enqueue_dma source(%dma_start3A_30 : memref<640x128xf32, #tpu.memory_space<vmem_shared>>) target(%dma_start3A_28 : memref<640x128xf32, #tpu.memory_space<hbm>>) target_semaphore(%run_scoped3A : memref<!tpu.dma_semaphore, #tpu.memory_space<semaphore_mem>>)
      %dma_wait3A = arith.constant 0 : i32
      %dma_wait3A_31 = tpu.memref_slice %arg6[%add3A_27, %dma_wait3A] : memref<20480x128xf32, #tpu.memory_space<hbm>> -> memref<640x128xf32, #tpu.memory_space<hbm>>
      %dma_wait3A_32 = arith.constant 0 : i32
      %dma_wait3A_33 = tpu.memref_slice %arg11[%mul3A_0, %dma_wait3A_32] : memref<10240x128xf32, #tpu.memory_space<vmem_shared>> -> memref<640x128xf32, #tpu.memory_space<vmem_shared>>
      tpu.wait_dma2 semaphore(%run_scoped3A : memref<!tpu.dma_semaphore, #tpu.memory_space<semaphore_mem>>) src(%dma_wait3A_33 : memref<640x128xf32, #tpu.memory_space<vmem_shared>>) dst(%dma_wait3A_31 : memref<640x128xf32, #tpu.memory_space<hbm>>)
      tpu.yield
    }) : () -> ()
    return
  }
}

#map = affine_map<(d0, d1) -> (0)>
module attributes {stable_mosaic.version = 14 : i64} {
  func.func @_deg_body(%arg0: i32, %arg1: i32, %arg2: memref<320000xi32, #tpu.memory_space<hbm>>, %arg3: memref<1280xf32, #tpu.memory_space<hbm>>, %arg4: memref<10240xf32, #tpu.memory_space<hbm>>, %arg5: memref<20480xf32, #tpu.memory_space<hbm>>, %arg6: memref<1280xi32, #tpu.memory_space<vmem>>, %arg7: memref<1280xf32, #tpu.memory_space<vmem>>, %arg8: memref<10240xf32, #tpu.memory_space<vmem_shared>>) attributes {dimension_semantics = [#tpu.dimension_semantics<core_parallel>, #tpu.dimension_semantics<subcore_parallel>], iteration_bounds = array<i64: 2, 16>, scalar_prefetch = 0 : i64, scratch_operands = 3 : i64, tpu.core_type = #tpu.core_type<sc_vector_subcore>, window_params = [{transform_indices = #map}, {transform_indices = #map}, {transform_indices = #map}, {transform_indices = #map}]} {
    %mul3A = arith.constant 640 : i32
    %mul3A_0 = arith.muli %arg1, %mul3A : i32
    "tpu.region"() ({
      %run_scoped3A = tpu.sem_alloc : memref<!tpu.dma_semaphore, #tpu.memory_space<semaphore_mem>>
      %dma_start3A = tpu.memref_slice %arg8[%mul3A_0] : memref<10240xf32, #tpu.memory_space<vmem_shared>> -> memref<640xf32, #tpu.memory_space<vmem_shared>>
      %dma_start3A_10 = tpu.memref_slice %arg4[%mul3A_0] : memref<10240xf32, #tpu.memory_space<hbm>> -> memref<640xf32, #tpu.memory_space<hbm>>
      tpu.enqueue_dma source(%dma_start3A_10 : memref<640xf32, #tpu.memory_space<hbm>>) target(%dma_start3A : memref<640xf32, #tpu.memory_space<vmem_shared>>) target_semaphore(%run_scoped3A : memref<!tpu.dma_semaphore, #tpu.memory_space<semaphore_mem>>)
      %dma_wait3A = tpu.memref_slice %arg8[%mul3A_0] : memref<10240xf32, #tpu.memory_space<vmem_shared>> -> memref<640xf32, #tpu.memory_space<vmem_shared>>
      %dma_wait3A_11 = tpu.memref_slice %arg4[%mul3A_0] : memref<10240xf32, #tpu.memory_space<hbm>> -> memref<640xf32, #tpu.memory_space<hbm>>
      tpu.wait_dma2 semaphore(%run_scoped3A : memref<!tpu.dma_semaphore, #tpu.memory_space<semaphore_mem>>) src(%dma_wait3A_11 : memref<640xf32, #tpu.memory_space<hbm>>) dst(%dma_wait3A : memref<640xf32, #tpu.memory_space<vmem_shared>>)
      tpu.yield
    }) : () -> ()
    "tpu.region"() ({
      %run_scoped3A = tpu.sem_alloc : memref<!tpu.dma_semaphore, #tpu.memory_space<semaphore_mem>>
      tpu.enqueue_dma source(%arg3 : memref<1280xf32, #tpu.memory_space<hbm>>) target(%arg7 : memref<1280xf32, #tpu.memory_space<vmem>>) target_semaphore(%run_scoped3A : memref<!tpu.dma_semaphore, #tpu.memory_space<semaphore_mem>>)
      tpu.wait_dma2 semaphore(%run_scoped3A : memref<!tpu.dma_semaphore, #tpu.memory_space<semaphore_mem>>) src(%arg3 : memref<1280xf32, #tpu.memory_space<hbm>>) dst(%arg7 : memref<1280xf32, #tpu.memory_space<vmem>>)
      tpu.yield
    }) : () -> ()
    %barrier3A = arith.constant 0 : index
    tpu.barrier barrier_id(%barrier3A)
    %mul3A_1 = arith.constant 160000 : i32
    %mul3A_2 = arith.muli %arg0, %mul3A_1 : i32
    %scan3A = arith.constant 0 : i32
    %scan3A_3 = arith.constant 8 : i32
    %scan3A_4 = arith.addi %scan3A, %scan3A_3 : i32
    %scan3A_5 = arith.constant 1 : i32
    scf.for %scan3A_10 = %scan3A to %scan3A_4 step %scan3A_5  : i32 {
      %mul3A_11 = arith.constant 16 : i32
      %mul3A_12 = arith.muli %scan3A_10, %mul3A_11 : i32
      %add3A_13 = arith.addi %arg1, %mul3A_12 : i32
      %lt3A = arith.constant 125 : i32
      %lt3A_14 = arith.cmpi slt, %add3A_13, %lt3A : i32
      %convert_element_type3A = arith.extui %lt3A_14 : i1 to i32
      %cond3A = arith.constant 0 : i32
      %cond3A_15 = arith.cmpi ne, %convert_element_type3A, %cond3A : i32
      scf.if %cond3A_15 {
        %mul3A_16 = arith.constant 1280 : i32
        %mul3A_17 = arith.muli %add3A_13, %mul3A_16 : i32
        %add3A_18 = arith.addi %mul3A_2, %mul3A_17 : i32
        "tpu.region"() ({
          %run_scoped3A = tpu.sem_alloc : memref<!tpu.dma_semaphore, #tpu.memory_space<semaphore_mem>>
          %dma_start3A = tpu.memref_slice %arg2[%add3A_18] : memref<320000xi32, #tpu.memory_space<hbm>> -> memref<1280xi32, #tpu.memory_space<hbm>>
          %dma_start3A_19 = tpu.memref_slice %arg2[%add3A_18] : memref<320000xi32, #tpu.memory_space<hbm>> -> memref<1280xi32, #tpu.memory_space<hbm>>
          tpu.enqueue_dma source(%dma_start3A_19 : memref<1280xi32, #tpu.memory_space<hbm>>) target(%arg6 : memref<1280xi32, #tpu.memory_space<vmem>>) target_semaphore(%run_scoped3A : memref<!tpu.dma_semaphore, #tpu.memory_space<semaphore_mem>>)
          %dma_wait3A = tpu.memref_slice %arg2[%add3A_18] : memref<320000xi32, #tpu.memory_space<hbm>> -> memref<1280xi32, #tpu.memory_space<hbm>>
          %dma_wait3A_20 = tpu.memref_slice %arg2[%add3A_18] : memref<320000xi32, #tpu.memory_space<hbm>> -> memref<1280xi32, #tpu.memory_space<hbm>>
          tpu.wait_dma2 semaphore(%run_scoped3A : memref<!tpu.dma_semaphore, #tpu.memory_space<semaphore_mem>>) src(%dma_wait3A_20 : memref<1280xi32, #tpu.memory_space<hbm>>) dst(%arg6 : memref<1280xi32, #tpu.memory_space<vmem>>)
          tpu.yield
        }) : () -> ()
        "tpu.region"() ({
          %run_scoped3A = tpu.sem_alloc : memref<!tpu.dma_semaphore, #tpu.memory_space<semaphore_mem>>
          %dma_start3A = arith.constant 0 : i32
          %dma_start3A_19 = tpu.memref_slice %arg8[%dma_start3A] : memref<10240xf32, #tpu.memory_space<vmem_shared>> -> memref<10240xf32, #tpu.memory_space<vmem_shared>>
          tpu.enqueue_indirect_dma source(%arg7 : memref<1280xf32, #tpu.memory_space<vmem>>) target(%dma_start3A_19 : memref<10240xf32, #tpu.memory_space<vmem_shared>>) offsets(%arg6 : memref<1280xi32, #tpu.memory_space<vmem>>) semaphore(%run_scoped3A : memref<!tpu.dma_semaphore, #tpu.memory_space<semaphore_mem>>) {add = true}
          %dma_wait3A = arith.constant 0 : i32
          %dma_wait3A_20 = tpu.memref_slice %arg8[%dma_wait3A] : memref<10240xf32, #tpu.memory_space<vmem_shared>> -> memref<10240xf32, #tpu.memory_space<vmem_shared>>
          tpu.wait_indirect_dma semaphore(%run_scoped3A : memref<!tpu.dma_semaphore, #tpu.memory_space<semaphore_mem>>) src(%arg7 : memref<1280xf32, #tpu.memory_space<vmem>>) dst(%dma_wait3A_20 : memref<10240xf32, #tpu.memory_space<vmem_shared>>)
          tpu.yield
        }) : () -> ()
      } else {
      }
    }
    %scan3A_6 = arith.constant 8 : i32
    %barrier3A_7 = arith.constant 0 : index
    tpu.barrier barrier_id(%barrier3A_7)
    %mul3A_8 = arith.constant 10240 : i32
    %mul3A_9 = arith.muli %arg0, %mul3A_8 : i32
    %add3A = arith.addi %mul3A_9, %mul3A_0 : i32
    "tpu.region"() ({
      %run_scoped3A = tpu.sem_alloc : memref<!tpu.dma_semaphore, #tpu.memory_space<semaphore_mem>>
      %dma_start3A = tpu.memref_slice %arg5[%add3A] : memref<20480xf32, #tpu.memory_space<hbm>> -> memref<640xf32, #tpu.memory_space<hbm>>
      %dma_start3A_10 = tpu.memref_slice %arg8[%mul3A_0] : memref<10240xf32, #tpu.memory_space<vmem_shared>> -> memref<640xf32, #tpu.memory_space<vmem_shared>>
      tpu.enqueue_dma source(%dma_start3A_10 : memref<640xf32, #tpu.memory_space<vmem_shared>>) target(%dma_start3A : memref<640xf32, #tpu.memory_space<hbm>>) target_semaphore(%run_scoped3A : memref<!tpu.dma_semaphore, #tpu.memory_space<semaphore_mem>>)
      %dma_wait3A = tpu.memref_slice %arg5[%add3A] : memref<20480xf32, #tpu.memory_space<hbm>> -> memref<640xf32, #tpu.memory_space<hbm>>
      %dma_wait3A_11 = tpu.memref_slice %arg8[%mul3A_0] : memref<10240xf32, #tpu.memory_space<vmem_shared>> -> memref<640xf32, #tpu.memory_space<vmem_shared>>
      tpu.wait_dma2 semaphore(%run_scoped3A : memref<!tpu.dma_semaphore, #tpu.memory_space<semaphore_mem>>) src(%dma_wait3A_11 : memref<640xf32, #tpu.memory_space<vmem_shared>>) dst(%dma_wait3A : memref<640xf32, #tpu.memory_space<hbm>>)
      tpu.yield
    }) : () -> ()
    return
  }
}

module attributes {stable_mosaic.version = 14 : i64} {
  func.func @_gscale_body(%arg0: i32, %arg1: memref<1000x128xf32, #tpu.memory_space<vmem>>, %arg2: memref<128x128xf32, #tpu.memory_space<vmem>>, %arg3: memref<2x1000x1xf32, #tpu.memory_space<vmem>>, %arg4: memref<1000x128xf32, #tpu.memory_space<vmem>>) attributes {dimension_semantics = [#tpu.dimension_semantics<arbitrary>], iteration_bounds = array<i64: 10>, scalar_prefetch = 0 : i64, scratch_operands = 0 : i64, tpu.core_type = #tpu.core_type<tc>, window_params = [{transform_indices = @transform_0, window_bounds = array<i64: 1000, 128>}, {pipeline_mode = #tpu.pipeline_mode<synchronous>, transform_indices = @transform_1, window_bounds = array<i64: 128, 128>}, {transform_indices = @transform_2, window_bounds = array<i64: 2, 1000, 1>}, {transform_indices = @transform_3, window_bounds = array<i64: 1000, 128>}]} {
    %get3A = arith.constant 0 : index
    %get3A_0 = arith.constant 0 : index
    %get3A_1 = vector.load %arg1[%get3A, %get3A_0] : memref<1000x128xf32, #tpu.memory_space<vmem>>, vector<1000x128xf32>
    %get3A_2 = arith.constant 0 : index
    %get3A_3 = arith.constant 0 : index
    %get3A_4 = vector.load %arg2[%get3A_2, %get3A_3] : memref<128x128xf32, #tpu.memory_space<vmem>>, vector<128x128xf32>
    %dot_general3A = arith.constant dense<0.000000e+00> : vector<1000x128xf32>
    %dot_general3A_5 = tpu.matmul %get3A_1, %get3A_4, %dot_general3A {dimension_numbers = #tpu.dot_dimension_numbers<[1], [0], [0], [1], [0, 0, 1, 1], [], []>, transpose_lhs_hint = false} : vector<1000x128xf32>, vector<128x128xf32>, vector<1000x128xf32> -> vector<1000x128xf32>
    %get3A_6 = arith.constant 0 : index
    %get3A_7 = arith.constant 0 : index
    %get3A_8 = arith.constant 0 : index
    %get3A_9 = vector.load %arg3[%get3A_6, %get3A_7, %get3A_8] : memref<2x1000x1xf32, #tpu.memory_space<vmem>>, vector<1x1000x1xf32>
    %get3A_10 = vector.shape_cast %get3A_9 : vector<1x1000x1xf32> to vector<1000x1xf32>
    %get3A_11 = arith.constant 1 : index
    %get3A_12 = arith.constant 0 : index
    %get3A_13 = arith.constant 0 : index
    %get3A_14 = vector.load %arg3[%get3A_11, %get3A_12, %get3A_13] : memref<2x1000x1xf32, #tpu.memory_space<vmem>>, vector<1x1000x1xf32>
    %get3A_15 = vector.shape_cast %get3A_14 : vector<1x1000x1xf32> to vector<1000x1xf32>
    %add3A = arith.addf %get3A_10, %get3A_15 : vector<1000x1xf32>
    %add3A_16 = arith.constant 1.000000e+00 : f32
    %add3A_17 = vector.broadcast %add3A_16 : f32 to vector<1000x1xf32>
    %add3A_18 = arith.addf %add3A, %add3A_17 : vector<1000x1xf32>
    %rsqrt3A = math.rsqrt %add3A_18 : vector<1000x1xf32>
    %mul3A = vector.broadcast %rsqrt3A : vector<1000x1xf32> to vector<1000x128xf32>
    %mul3A_19 = arith.mulf %dot_general3A_5, %mul3A : vector<1000x128xf32>
    %swap3A = arith.constant 0 : index
    %swap3A_20 = arith.constant 0 : index
    %swap3A_21 = vector.load %arg4[%swap3A, %swap3A_20] : memref<1000x128xf32, #tpu.memory_space<vmem>>, vector<1000x128xf32>
    tpu.vector_store %arg4[%swap3A, %swap3A_20], %mul3A_19 {strides = array<i32>} : memref<1000x128xf32, #tpu.memory_space<vmem>>, vector<1000x128xf32>,
    return
  }
  func.func @transform_0(%arg0: i32) -> (i32, i32) {
    %c0_i32 = arith.constant 0 : i32
    %c0_i32_0 = arith.constant 0 : i32
    return %arg0, %c0_i32 : i32, i32
  }
  func.func @transform_1(%arg0: i32) -> (i32, i32) {
    %c0_i32 = arith.constant 0 : i32
    %c0_i32_0 = arith.constant 0 : i32
    %c0_i32_1 = arith.constant 0 : i32
    return %c0_i32, %c0_i32_0 : i32, i32
  }
  func.func @transform_2(%arg0: i32) -> (i32, i32, i32) {
    %c0_i32 = arith.constant 0 : i32
    %c0_i32_0 = arith.constant 0 : i32
    %c0_i32_1 = arith.constant 0 : i32
    return %c0_i32, %arg0, %c0_i32_0 : i32, i32, i32
  }
  func.func @transform_3(%arg0: i32) -> (i32, i32) {
    %c0_i32 = arith.constant 0 : i32
    %c0_i32_0 = arith.constant 0 : i32
    return %arg0, %c0_i32 : i32, i32
  }
}

module attributes {stable_mosaic.version = 14 : i64} {
  func.func @_head_body(%arg0: i32, %arg1: memref<2x1000x128xf32, #tpu.memory_space<vmem>>, %arg2: memref<1000x128xf32, #tpu.memory_space<vmem>>, %arg3: memref<1000x128xf32, #tpu.memory_space<vmem>>, %arg4: memref<2x1000x1xf32, #tpu.memory_space<vmem>>, %arg5: memref<1x128xf32, #tpu.memory_space<vmem>>, %arg6: memref<128x256xf32, #tpu.memory_space<vmem>>, %arg7: memref<1x256xf32, #tpu.memory_space<vmem>>, %arg8: memref<256x256xf32, #tpu.memory_space<vmem>>, %arg9: memref<1x256xf32, #tpu.memory_space<vmem>>, %arg10: memref<256x1xf32, #tpu.memory_space<vmem>>, %arg11: memref<1x1xf32, #tpu.memory_space<vmem>>, %arg12: memref<1000x1xf32, #tpu.memory_space<vmem>>, %arg13: memref<10000x1xf32, #tpu.memory_space<vmem>>) attributes {dimension_semantics = [#tpu.dimension_semantics<arbitrary>], iteration_bounds = array<i64: 10>, scalar_prefetch = 0 : i64, scratch_operands = 0 : i64, tpu.core_type = #tpu.core_type<tc>, window_params = [{transform_indices = @transform_0, window_bounds = array<i64: 2, 1000, 128>}, {transform_indices = @transform_1, window_bounds = array<i64: 1000, 128>}, {transform_indices = @transform_2, window_bounds = array<i64: 1000, 128>}, {transform_indices = @transform_3, window_bounds = array<i64: 2, 1000, 1>}, {pipeline_mode = #tpu.pipeline_mode<synchronous>, transform_indices = @transform_4, window_bounds = array<i64: 1, 128>}, {pipeline_mode = #tpu.pipeline_mode<synchronous>, transform_indices = @transform_5, window_bounds = array<i64: 128, 256>}, {pipeline_mode = #tpu.pipeline_mode<synchronous>, transform_indices = @transform_6, window_bounds = array<i64: 1, 256>}, {pipeline_mode = #tpu.pipeline_mode<synchronous>, transform_indices = @transform_7, window_bounds = array<i64: 256, 256>}, {pipeline_mode = #tpu.pipeline_mode<synchronous>, transform_indices = @transform_8, window_bounds = array<i64: 1, 256>}, {pipeline_mode = #tpu.pipeline_mode<synchronous>, transform_indices = @transform_9, window_bounds = array<i64: 256, 1>}, {pipeline_mode = #tpu.pipeline_mode<synchronous>, transform_indices = @transform_10, window_bounds = array<i64: 1, 1>}, {transform_indices = @transform_11, window_bounds = array<i64: 1000, 1>}, {pipeline_mode = #tpu.pipeline_mode<synchronous>, transform_indices = @transform_12, window_bounds = array<i64: 10000, 1>}]} {
    %get3A = arith.constant 0 : index
    %get3A_0 = arith.constant 0 : index
    %get3A_1 = arith.constant 0 : index
    %get3A_2 = vector.load %arg1[%get3A, %get3A_0, %get3A_1] : memref<2x1000x128xf32, #tpu.memory_space<vmem>>, vector<1x1000x128xf32>
    %get3A_3 = vector.shape_cast %get3A_2 : vector<1x1000x128xf32> to vector<1000x128xf32>
    %get3A_4 = arith.constant 1 : index
    %get3A_5 = arith.constant 0 : index
    %get3A_6 = arith.constant 0 : index
    %get3A_7 = vector.load %arg1[%get3A_4, %get3A_5, %get3A_6] : memref<2x1000x128xf32, #tpu.memory_space<vmem>>, vector<1x1000x128xf32>
    %get3A_8 = vector.shape_cast %get3A_7 : vector<1x1000x128xf32> to vector<1000x128xf32>
    %add3A = arith.addf %get3A_3, %get3A_8 : vector<1000x128xf32>
    %get3A_9 = arith.constant 0 : index
    %get3A_10 = arith.constant 0 : index
    %get3A_11 = vector.load %arg2[%get3A_9, %get3A_10] : memref<1000x128xf32, #tpu.memory_space<vmem>>, vector<1000x128xf32>
    %get3A_12 = arith.constant 0 : index
    %get3A_13 = arith.constant 0 : index
    %get3A_14 = arith.constant 0 : index
    %get3A_15 = vector.load %arg4[%get3A_12, %get3A_13, %get3A_14] : memref<2x1000x1xf32, #tpu.memory_space<vmem>>, vector<1x1000x1xf32>
    %get3A_16 = vector.shape_cast %get3A_15 : vector<1x1000x1xf32> to vector<1000x1xf32>
    %get3A_17 = arith.constant 1 : index
    %get3A_18 = arith.constant 0 : index
    %get3A_19 = arith.constant 0 : index
    %get3A_20 = vector.load %arg4[%get3A_17, %get3A_18, %get3A_19] : memref<2x1000x1xf32, #tpu.memory_space<vmem>>, vector<1x1000x1xf32>
    %get3A_21 = vector.shape_cast %get3A_20 : vector<1x1000x1xf32> to vector<1000x1xf32>
    %add3A_22 = arith.addf %get3A_16, %get3A_21 : vector<1000x1xf32>
    %add3A_23 = arith.constant 1.000000e+00 : f32
    %add3A_24 = vector.broadcast %add3A_23 : f32 to vector<1000x1xf32>
    %add3A_25 = arith.addf %add3A_22, %add3A_24 : vector<1000x1xf32>
    %rsqrt3A = math.rsqrt %add3A_25 : vector<1000x1xf32>
    %add3A_26 = arith.addf %add3A, %get3A_11 : vector<1000x128xf32>
    %mul3A = vector.broadcast %rsqrt3A : vector<1000x1xf32> to vector<1000x128xf32>
    %mul3A_27 = arith.mulf %add3A_26, %mul3A : vector<1000x128xf32>
    %get3A_28 = arith.constant 0 : index
    %get3A_29 = arith.constant 0 : index
    %get3A_30 = vector.load %arg5[%get3A_28, %get3A_29] : memref<1x128xf32, #tpu.memory_space<vmem>>, vector<1x128xf32>
    %add3A_31 = vector.broadcast %get3A_30 : vector<1x128xf32> to vector<1000x128xf32>
    %add3A_32 = arith.addf %mul3A_27, %add3A_31 : vector<1000x128xf32>
    %max3A = arith.constant 0.000000e+00 : f32
    %max3A_33 = vector.broadcast %max3A : f32 to vector<1000x128xf32>
    %max3A_34 = arith.maximumf %add3A_32, %max3A_33 : vector<1000x128xf32>
    %get3A_35 = arith.constant 0 : index
    %get3A_36 = arith.constant 0 : index
    %get3A_37 = vector.load %arg3[%get3A_35, %get3A_36] : memref<1000x128xf32, #tpu.memory_space<vmem>>, vector<1000x128xf32>
    %add3A_38 = arith.addf %max3A_34, %get3A_37 : vector<1000x128xf32>
    %get3A_39 = arith.constant 0 : index
    %get3A_40 = arith.constant 0 : index
    %get3A_41 = vector.load %arg6[%get3A_39, %get3A_40] : memref<128x256xf32, #tpu.memory_space<vmem>>, vector<128x256xf32>
    %dot_general3A = arith.constant dense<0.000000e+00> : vector<1000x256xf32>
    %dot_general3A_42 = tpu.matmul %add3A_38, %get3A_41, %dot_general3A {dimension_numbers = #tpu.dot_dimension_numbers<[1], [0], [0], [1], [0, 0, 1, 1], [], []>, transpose_lhs_hint = false} : vector<1000x128xf32>, vector<128x256xf32>, vector<1000x256xf32> -> vector<1000x256xf32>
    %get3A_43 = arith.constant 0 : index
    %get3A_44 = arith.constant 0 : index
    %get3A_45 = vector.load %arg7[%get3A_43, %get3A_44] : memref<1x256xf32, #tpu.memory_space<vmem>>, vector<1x256xf32>
    %add3A_46 = vector.broadcast %get3A_45 : vector<1x256xf32> to vector<1000x256xf32>
    %add3A_47 = arith.addf %dot_general3A_42, %add3A_46 : vector<1000x256xf32>
    %gt3A = arith.constant 0.000000e+00 : f32
    %gt3A_48 = vector.broadcast %gt3A : f32 to vector<1000x256xf32>
    %gt3A_49 = arith.cmpf ogt, %add3A_47, %gt3A_48 : vector<1000x256xf32>
    %mul3A_50 = arith.constant 0.00999999977 : f32
    %mul3A_51 = vector.broadcast %mul3A_50 : f32 to vector<1000x256xf32>
    %mul3A_52 = arith.mulf %mul3A_51, %add3A_47 : vector<1000x256xf32>
    %select_n3A = arith.select %gt3A_49, %add3A_47, %mul3A_52 : vector<1000x256xi1>, vector<1000x256xf32>
    %get3A_53 = arith.constant 0 : index
    %get3A_54 = arith.constant 0 : index
    %get3A_55 = vector.load %arg8[%get3A_53, %get3A_54] : memref<256x256xf32, #tpu.memory_space<vmem>>, vector<256x256xf32>
    %dot_general3A_56 = arith.constant dense<0.000000e+00> : vector<1000x256xf32>
    %dot_general3A_57 = tpu.matmul %select_n3A, %get3A_55, %dot_general3A_56 {dimension_numbers = #tpu.dot_dimension_numbers<[1], [0], [0], [1], [0, 0, 1, 1], [], []>, transpose_lhs_hint = false} : vector<1000x256xf32>, vector<256x256xf32>, vector<1000x256xf32> -> vector<1000x256xf32>
    %get3A_58 = arith.constant 0 : index
    %get3A_59 = arith.constant 0 : index
    %get3A_60 = vector.load %arg9[%get3A_58, %get3A_59] : memref<1x256xf32, #tpu.memory_space<vmem>>, vector<1x256xf32>
    %add3A_61 = vector.broadcast %get3A_60 : vector<1x256xf32> to vector<1000x256xf32>
    %add3A_62 = arith.addf %dot_general3A_57, %add3A_61 : vector<1000x256xf32>
    %gt3A_63 = arith.constant 0.000000e+00 : f32
    %gt3A_64 = vector.broadcast %gt3A_63 : f32 to vector<1000x256xf32>
    %gt3A_65 = arith.cmpf ogt, %add3A_62, %gt3A_64 : vector<1000x256xf32>
    %mul3A_66 = arith.constant 0.00999999977 : f32
    %mul3A_67 = vector.broadcast %mul3A_66 : f32 to vector<1000x256xf32>
    %mul3A_68 = arith.mulf %mul3A_67, %add3A_62 : vector<1000x256xf32>
    %select_n3A_69 = arith.select %gt3A_65, %add3A_62, %mul3A_68 : vector<1000x256xi1>, vector<1000x256xf32>
    %get3A_70 = arith.constant 0 : index
    %get3A_71 = arith.constant 0 : index
    %get3A_72 = vector.load %arg10[%get3A_70, %get3A_71] : memref<256x1xf32, #tpu.memory_space<vmem>>, vector<256x1xf32>
    %dot_general3A_73 = arith.constant dense<0.000000e+00> : vector<1000x1xf32>
    %dot_general3A_74 = tpu.matmul %select_n3A_69, %get3A_72, %dot_general3A_73 {dimension_numbers = #tpu.dot_dimension_numbers<[1], [0], [0], [1], [0, 0, 1, 1], [], []>, transpose_lhs_hint = false} : vector<1000x256xf32>, vector<256x1xf32>, vector<1000x1xf32> -> vector<1000x1xf32>
    %get3A_75 = arith.constant 0 : index
    %get3A_76 = arith.constant 0 : index
    %get3A_77 = vector.load %arg11[%get3A_75, %get3A_76] : memref<1x1xf32, #tpu.memory_space<vmem>>, vector<1x1xf32>
    %add3A_78 = vector.broadcast %get3A_77 : vector<1x1xf32> to vector<1000x1xf32>
    %add3A_79 = arith.addf %dot_general3A_74, %add3A_78 : vector<1000x1xf32>
    %max3A_80 = arith.constant 0.000000e+00 : f32
    %max3A_81 = vector.broadcast %max3A_80 : f32 to vector<1000x1xf32>
    %max3A_82 = arith.maximumf %add3A_79, %max3A_81 : vector<1000x1xf32>
    %abs3A = math.absf %add3A_79 : vector<1000x1xf32>
    %neg3A = arith.constant 0.000000e+00 : f32
    %neg3A_83 = vector.broadcast %neg3A : f32 to vector<1000x1xf32>
    %neg3A_84 = arith.subf %neg3A_83, %abs3A : vector<1000x1xf32>
    %exp3A = math.exp %neg3A_84 : vector<1000x1xf32>
    %log1p3A = math.log1p %exp3A : vector<1000x1xf32>
    %add3A_85 = arith.addf %max3A_82, %log1p3A : vector<1000x1xf32>
    %swap3A = arith.constant 0 : index
    %swap3A_86 = arith.constant 0 : index
    %swap3A_87 = vector.load %arg12[%swap3A, %swap3A_86] : memref<1000x1xf32, #tpu.memory_space<vmem>>, vector<1000x1xf32>
    tpu.vector_store %arg12[%swap3A, %swap3A_86], %add3A_85 {strides = array<i32>} : memref<1000x1xf32, #tpu.memory_space<vmem>>, vector<1000x1xf32>,
    %mul3A_88 = arith.constant 1000 : i32
    %mul3A_89 = arith.muli %arg0, %mul3A_88 : i32
    %swap3A_90 = arith.index_cast %mul3A_89 : i32 to index
    %swap3A_91 = arith.constant 0 : index
    %swap3A_92 = vector.load %arg13[%swap3A_90, %swap3A_91] : memref<10000x1xf32, #tpu.memory_space<vmem>>, vector<1000x1xf32>
    tpu.vector_store %arg13[%swap3A_90, %swap3A_91], %add3A_85 {strides = array<i32>} : memref<10000x1xf32, #tpu.memory_space<vmem>>, vector<1000x1xf32>,
    %eq3A = arith.constant 9 : i32
    %eq3A_93 = arith.cmpi eq, %arg0, %eq3A : i32
    %convert_element_type3A = arith.extui %eq3A_93 : i1 to i32
    %cond3A = arith.constant 0 : i32
    %cond3A_94 = arith.cmpi ne, %convert_element_type3A, %cond3A : i32
    scf.if %cond3A_94 {
      %get3A_95 = arith.constant 0 : index
      %get3A_96 = arith.constant 0 : index
      %get3A_97 = vector.load %arg13[%get3A_95, %get3A_96] : memref<10000x1xf32, #tpu.memory_space<vmem>>, vector<10000x1xf32>
      %get3A_98 = arith.constant 0 : index
      %get3A_99 = arith.constant 0 : index
      %get3A_100 = vector.load %arg13[%get3A_98, %get3A_99] : memref<10000x1xf32, #tpu.memory_space<vmem>>, vector<10000x1xf32>
      %reduce_sum3A = vector.shape_cast %get3A_100 : vector<10000x1xf32> to vector<1x10000x1xf32>
      %reduce_sum3A_101 = arith.constant dense<0.000000e+00> : vector<1xf32>
      %reduce_sum3A_102 = vector.multi_reduction <add>, %reduce_sum3A, %reduce_sum3A_101 [1, 2] : vector<1x10000x1xf32> to vector<1xf32>
      %reduce_sum3A_103 = vector.shape_cast %reduce_sum3A_102 : vector<1xf32> to vector<1x1x1xf32>
      %reduce_sum3A_104 = vector.extract %reduce_sum3A_103[0, 0, 0] : f32 from vector<1x1x1xf32>
      %add3A_105 = arith.constant 9.99999974E-6 : f32
      %add3A_106 = arith.addf %reduce_sum3A_104, %add3A_105 : f32
      %div3A = vector.broadcast %add3A_106 : f32 to vector<10000x1xf32>
      %div3A_107 = arith.divf %get3A_97, %div3A : vector<10000x1xf32>
      %swap3A_108 = arith.constant 0 : index
      %swap3A_109 = arith.constant 0 : index
      %swap3A_110 = vector.load %arg13[%swap3A_108, %swap3A_109] : memref<10000x1xf32, #tpu.memory_space<vmem>>, vector<10000x1xf32>
      tpu.vector_store %arg13[%swap3A_108, %swap3A_109], %div3A_107 {strides = array<i32>} : memref<10000x1xf32, #tpu.memory_space<vmem>>, vector<10000x1xf32>,
    } else {
    }
    return
  }
  func.func @transform_0(%arg0: i32) -> (i32, i32, i32) {
    %c0_i32 = arith.constant 0 : i32
    %c0_i32_0 = arith.constant 0 : i32
    %c0_i32_1 = arith.constant 0 : i32
    return %c0_i32, %arg0, %c0_i32_0 : i32, i32, i32
  }
  func.func @transform_1(%arg0: i32) -> (i32, i32) {
    %c0_i32 = arith.constant 0 : i32
    %c0_i32_0 = arith.constant 0 : i32
    return %arg0, %c0_i32 : i32, i32
  }
  func.func @transform_2(%arg0: i32) -> (i32, i32) {
    %c0_i32 = arith.constant 0 : i32
    %c0_i32_0 = arith.constant 0 : i32
    return %arg0, %c0_i32 : i32, i32
  }
  func.func @transform_3(%arg0: i32) -> (i32, i32, i32) {
    %c0_i32 = arith.constant 0 : i32
    %c0_i32_0 = arith.constant 0 : i32
    %c0_i32_1 = arith.constant 0 : i32
    return %c0_i32, %arg0, %c0_i32_0 : i32, i32, i32
  }
  func.func @transform_4(%arg0: i32) -> (i32, i32) {
    %c0_i32 = arith.constant 0 : i32
    %c0_i32_0 = arith.constant 0 : i32
    %c0_i32_1 = arith.constant 0 : i32
    return %c0_i32, %c0_i32_0 : i32, i32
  }
  func.func @transform_5(%arg0: i32) -> (i32, i32) {
    %c0_i32 = arith.constant 0 : i32
    %c0_i32_0 = arith.constant 0 : i32
    %c0_i32_1 = arith.constant 0 : i32
    return %c0_i32, %c0_i32_0 : i32, i32
  }
  func.func @transform_6(%arg0: i32) -> (i32, i32) {
    %c0_i32 = arith.constant 0 : i32
    %c0_i32_0 = arith.constant 0 : i32
    %c0_i32_1 = arith.constant 0 : i32
    return %c0_i32, %c0_i32_0 : i32, i32
  }
  func.func @transform_7(%arg0: i32) -> (i32, i32) {
    %c0_i32 = arith.constant 0 : i32
    %c0_i32_0 = arith.constant 0 : i32
    %c0_i32_1 = arith.constant 0 : i32
    return %c0_i32, %c0_i32_0 : i32, i32
  }
  func.func @transform_8(%arg0: i32) -> (i32, i32) {
    %c0_i32 = arith.constant 0 : i32
    %c0_i32_0 = arith.constant 0 : i32
    %c0_i32_1 = arith.constant 0 : i32
    return %c0_i32, %c0_i32_0 : i32, i32
  }
  func.func @transform_9(%arg0: i32) -> (i32, i32) {
    %c0_i32 = arith.constant 0 : i32
    %c0_i32_0 = arith.constant 0 : i32
    %c0_i32_1 = arith.constant 0 : i32
    return %c0_i32, %c0_i32_0 : i32, i32
  }
  func.func @transform_10(%arg0: i32) -> (i32, i32) {
    %c0_i32 = arith.constant 0 : i32
    %c0_i32_0 = arith.constant 0 : i32
    %c0_i32_1 = arith.constant 0 : i32
    return %c0_i32, %c0_i32_0 : i32, i32
  }
  func.func @transform_11(%arg0: i32) -> (i32, i32) {
    %c0_i32 = arith.constant 0 : i32
    %c0_i32_0 = arith.constant 0 : i32
    return %arg0, %c0_i32 : i32, i32
  }
  func.func @transform_12(%arg0: i32) -> (i32, i32) {
    %c0_i32 = arith.constant 0 : i32
    %c0_i32_0 = arith.constant 0 : i32
    %c0_i32_1 = arith.constant 0 : i32
    return %c0_i32, %c0_i32_0 : i32, i32
  }
}

</mosaic_0001>

<sc_bundles>
// kernel: kernel.6.cloned.1.call-start
scs
__scs_entry_jumppad:
0x0: {  	(pc) =	sbr.rel $0x88, $3  }
0x1: {  	(tag) =	ssettag $0x0;
	lr =	simm.s32 $0x1  }
0x2: {  	[smem:$0x3F97] =	sst lr;
	_ =	strace $0xD0000000  }
0x3: {  	_ = 	snop  }
0x4: {  	_ = 	snop  }
0x5: {  	_ = 	snop  }
0x6: {  	_ = 	snop  }
0x7: {  	_ = 	snop  }
__scs_overlays_trampoline_lowered:
0x8: {  	[smem:$0x3FA6] =	sst s0  }
0x9: {  	[smem:$0x3FA7] =	sst s1  }
0xa: {  	[smem:$0x3FA8] =	sst s2  }
0xb: {  	[smem:$0x3FA9] =	sst s3  }
0xc: {  	[smem:$0x3FAA] =	sst s4  }
0xd: {  	[smem:$0x3FAB] =	sst s5  }
0xe: {  	[smem:$0x3FAC] =	sst s6  }
0xf: {  	[smem:$0x3FAD] =	sst s7  }
0x10: {  	[smem:$0x3FAE] =	sst s8  }
0x11: {  	[smem:$0x3FAF] =	sst s9;
	s0 =	simm.s32 @!p0 $0x0  }
0x12: {  	s1 =	sld [smem:$0x3F95];
	s0 =	simm.s32 @p0 $0x1  }
0x13: {  	[smem:$0x3FB0] =	sst s0;
	s0 =	simm.s32 @!p1 $0x0  }
0x14: {  	s2 =	sld [smem:$0x3F94];
	s0 =	simm.s32 @p1 $0x1  }
0x15: {  	[smem:$0x3FB1] =	sst s0;
	s0 =	simm.s32 @!p2 $0x0  }
0x16: {  	s3 =	sld [smem:$0x3FDB];
	s0 =	simm.s32 @p2 $0x1  }
0x17: {  	s4 =	simm.s32 $0x1BF5;
	[smem:$0x3FB3] =	sst s0  }
0x18: {  	s0 =	sld [smem:$0x3F96];
	_ =	swait.ge [sflag:s4], $0x0  }
0x19: {  	s7 =	sld [smem:$0x3F97]  }
0x1a: {  	s8 =	sadd.s32 $0xFFFFE003, lr  }
0x1b: {  	s9 =	sadd.s32 $0xFFFFFEF7, lr;
	s5 =	simm.s32 $0xFFFFFFFF;
	p2 =	slt.u32 s8, $0xFFFFF086  }
0x1c: {  	p1 =	slt.u32 s9, $0xF7A;
	s5 =	simm.s32 @!p2 $0x0  }
0x1d: {  	s5 =	simm.s32 @p1 $0x1;
	p0 =	seq.s32 s7, s2  }
0x1e: {  	s7 =	smul.u32 @!p0 $0xF7A, s2;
	p2 =	seq.s32 @!p0 s5, $0x0  }
0x1f: {  	s9 =	smul.u32 $0xF7A, s1;
	s8 =	simm.s32 @!p0 $0x1BF5;
	p2 =	por !p2, p0  }
0x20: {  	[sflag:s8] =	ssyncset.s32 @!p0 $0xFFFFF086;
	s6 =	sadd.s32 @!p0 s3, s7;
	s7 =	simm.s32 @!p0 $0x108  }
0x21: {  	s3 =	sadd.s32 s3, s9;
	s6 =	sadd.s32 @!p0 $0x88, s6;
	s7 =	simm.s32 @p2 $0x1082  }
0x22: {  	[simem:s7], [sflag:s8] =	dma.local @!p0 [hbm:s6], $0xF7A  }
0x23: {  	s9 =	sor.u32 $0xD0000000, s2;
	s6 =	simm.s32 $0x108;
	_ =	swait.ge @!p0 [sflag:s8], $0x0  }
0x24: {  	s3 =	sadd.s32 $0x88, s3;
	s6 =	simm.s32 @!p1 $0x1082;
	[sflag:s4] =	ssyncset.s32 $0xFFFFF086  }
0x25: {  	[simem:s6], [sflag:s4] =	dma.local [hbm:s3], $0xF7A  }
0x26: {  	[smem:$0x3F97] =	sst s1;
	(tag) =	ssettag s2;
	_ =	strace s9  }
0x27: {  	s1 =	sld [smem:$0x3FA7]  }
0x28: {  	s2 =	sld [smem:$0x3FA8]  }
0x29: {  	s4 =	sld [smem:$0x3FAA]  }
0x2a: {  	p0 =	seq.s32 s5, $0x0;
	s5 =	sld [smem:$0x3FAB]  }
0x2b: {  	s6 =	sld [smem:$0x3FAC]  }
0x2c: {  	s7 =	sld [smem:$0x3FAD]  }
0x2d: {  	s3 =	simm.s32 $0x108;
	s8 =	sld [smem:$0x3FAE]  }
0x2e: {  	s3 =	simm.s32 @!p0 $0x1082;
	s9 =	sld [smem:$0x3FAF]  }
0x2f: {  	lr =	sadd.s32 s0, s3;
	s0 =	sld [smem:$0x3FA6]  }
0x30: {  	s3 =	sld [smem:$0x3FA9]  }
0x31: {  	[smem:$0x3FB2] =	sst s10  }
0x32: {  	s10 =	sld [smem:$0x3FB0];
	_ =	sdelay $0x3  }
0x33: {  	p0 =	seq.s32 s10, $0x1;
	s10 =	sld [smem:$0x3FB2];
	_ =	sdelay $0x3  }
0x34: {  	[smem:$0x3FB2] =	sst s10  }
0x35: {  	s10 =	sld [smem:$0x3FB1];
	_ =	sdelay $0x3  }
0x36: {  	p1 =	seq.s32 s10, $0x1;
	s10 =	sld [smem:$0x3FB2];
	_ =	sdelay $0x3  }
0x37: {  	[smem:$0x3FB2] =	sst s10  }
0x38: {  	s10 =	sld [smem:$0x3FB3]  }
0x39: {  	_ = 	snop;
	(pc) =	sbr.ind lr, $3  }
0x3a: {  	_ = 	snop  }
0x3b: {  	_ = 	snop  }
0x3c: {  	p2 =	seq.s32 s10, $0x1;
	s10 =	sld [smem:$0x3FB2]  }
0x3d: {  	_ =	shalt  }
0x3e: {  	_ =	shalt  }
0x3f: {  	_ =	shalt  }
0x40: {  	_ =	shalt  }
0x41: {  	_ =	shalt  }
0x42: {  	_ =	shalt  }
0x43: {  	_ =	shalt  }
0x44: {  	_ =	shalt  }
0x45: {  	_ =	shalt  }
0x46: {  	_ =	shalt  }
0x47: {  	_ =	shalt  }
0x48: {  	_ =	shalt  }
0x49: {  	_ =	shalt  }
0x4a: {  	_ =	shalt  }
0x4b: {  	_ =	shalt  }
0x4c: {  	_ =	shalt  }
0x4d: {  	_ =	shalt  }
0x4e: {  	_ =	shalt  }
0x4f: {  	_ =	shalt  }
0x50: {  	_ =	shalt  }
0x51: {  	_ =	shalt  }
0x52: {  	_ =	shalt  }
0x53: {  	_ =	shalt  }
0x54: {  	_ =	shalt  }
0x55: {  	_ =	shalt  }
0x56: {  	_ =	shalt  }
0x57: {  	_ =	shalt  }
0x58: {  	_ =	shalt  }
0x59: {  	_ =	shalt  }
0x5a: {  	_ =	shalt  }
0x5b: {  	_ =	shalt  }
0x5c: {  	_ =	shalt  }
0x5d: {  	_ =	shalt  }
0x5e: {  	_ =	shalt  }
0x5f: {  	_ =	shalt  }
0x60: {  	_ =	shalt  }
0x61: {  	_ =	shalt  }
0x62: {  	_ =	shalt  }
0x63: {  	_ =	shalt  }
0x64: {  	_ =	shalt  }
0x65: {  	_ =	shalt  }
0x66: {  	_ =	shalt  }
0x67: {  	_ =	shalt  }
0x68: {  	_ =	shalt  }
0x69: {  	_ =	shalt  }
0x6a: {  	_ =	shalt  }
0x6b: {  	_ =	shalt  }
0x6c: {  	_ =	shalt  }
0x6d: {  	_ =	shalt  }
0x6e: {  	_ =	shalt  }
0x6f: {  	_ =	shalt  }
0x70: {  	_ =	shalt  }
0x71: {  	_ =	shalt  }
0x72: {  	_ =	shalt  }
0x73: {  	_ =	shalt  }
0x74: {  	_ =	shalt  }
0x75: {  	_ =	shalt  }
0x76: {  	_ =	shalt  }
0x77: {  	_ =	shalt  }
0x78: {  	_ =	shalt  }
0x79: {  	_ =	shalt  }
0x7a: {  	_ =	shalt  }
0x7b: {  	_ =	shalt  }
0x7c: {  	_ =	shalt  }
0x7d: {  	_ =	shalt  }
0x7e: {  	_ =	shalt  }
0x7f: {  	_ =	shalt  }
0x80: {  	_ =	shalt  }
0x81: {  	_ =	shalt  }
0x82: {  	_ =	shalt  }
0x83: {  	_ =	shalt  }
0x84: {  	_ =	shalt  }
0x85: {  	_ =	shalt  }
0x86: {  	_ =	shalt  }
0x87: {  	_ =	shalt  }
.Lfunc_end0:
.L_simem_size_0:
called_computation_lowered:
.L_overlay_start_0:
0x88: {  	s2 =	sld [smem:$0x3FD9]  }
0x89: {  	s3 =	sld [smem:$0x3FFE];
	_ =	sdelay $0x1  }
0x8a: {  	s1 =	srdreg.scid  }
0x8b: {  	s0 =	sand.u32 $0x1, s1  }
0x8c: {  	s14 =	sshll.u32 s0, $0xA;
	s2 =	sadd.s32 s3, s2  }
0x8d: {  	s2 =	sadd.s32 s2, s14  }
0x8e: {  	[smem:$0x3FBE] =	sst s2  }
0x8f: {  	_ = 	snop  }
0x90: {  	s2 =	sld [smem:$0x3FD0];
	_ =	sdelay $0x2  }
0x91: {  	s15 =	simm.s32 $0xA;
	s4 =	simm.s32 $0x10  }
0x92: {  	[smem:s4], [sflag:s15] =	dma.local [hbm:s2], $0x1  }
0x93: {  	_ =	swait.eq [sflag:s15], $0x1  }
0x94: {  	[sflag:s15] =	ssyncset.done $0x0  }
0x95: {  	s16 =	sld [smem:$0x10];
	[sflag:s15] =	ssyncadd.s32 $0xFFFFFFFF  }
0x96: {  	s17 =	sld [smem:$0x11];
	(tm) =	ssettm $0x1  }
0x97: {  	s18 =	sld [smem:$0x3FFB];
	_ =	sdelay $0x3  }
0x98: {  	_ =	strace s18  }
0x99: {  	s4 =	sld [smem:$0x3FFC];
	_ =	sdelay $0x3  }
0x9a: {  	_ =	strace s4  }
0x9b: {  	s4 =	sld [smem:$0x3FFD];
	_ =	sdelay $0x3  }
0x9c: {  	_ =	strace s4  }
0x9d: {  	_ =	strace $0x8FFFFFFF  }
0x9e: {  	s19 =	sld [smem:$0x3FDB];
	_ =	sdelay $0x1  }
0x9f: {  	s5 =	simm.s32 $_scs_section_size  }
0xa0: {  	s6 =	simm.s32 $_size__tile_overlayer_lowered;
	s7 =	simm.s32 $_tile_overlayer_lowered  }
0xa1: {  	s22 =	simm.s32 $0x1BFF;
	s21 =	sshll.u32 s7, $0x1;
	s4 =	sadd.s32 s5, s19  }
0xa2: {  	s8 =	simm.s32 $0x0;
	s20 =	sshll.u32 s6, $0x1;
	s6 =	sadd.s32 s21, s4  }
0xa3: {  	[timem:s8], [sflag:s22] =	dma.local [hbm:s6], s20  }
0xa4: {  	_ =	swait.ge [sflag:s22], s20  }
0xa5: {  	s5 =	ssub.s32 $0x0, s20;
	[sflag:s22] =	ssyncset.done $0x0  }
0xa6: {  	[sflag:s22] =	ssyncadd.s32 s5;
	_ =	sdelay $0x1  }
0xa7: {  	s23 =	simm.s32 $0x1B8B  }
0xa8: {  	_ =	swait.ge [sflag:s23], $0x1  }
0xa9: {  	[sflag:s23] =	ssyncset.done $0x0  }
0xaa: {  	s25 =	simm.s32 $0x1B8E;
	s24 =	sld [smem:$0x3FFE];
	[sflag:s23] =	ssyncadd.s32 $0xFFFFFFFF  }
0xab: {  	s26 =	simm.s32 $execute0_lowered;
	[smem:$0x3FD2] =	sst s25  }
0xac: {  	s6 =	sshll.u32 s26, $0x1;
	_ =	strace $0x80000046;
	[dreg:$0x1] =	wrdreg $0xFFFFFFFF  }
0xad: {  	s28 =	simm.s32 $_size_execute0_lowered;
	s4 =	sadd.s32 s4, s6;
	[dreg:$0x0] =	wrdreg $0x0  }
0xae: {  	s6 =	sshll.u32 s28, $0x1;
	[dreg:$0x2] =	wrdreg s4  }
0xaf: {  	[dreg:$0x3] =	wrdreg s6  }
0xb0: {  	[dreg:$0x4] =	wrdreg $0xC0  }
0xb1: {  	_ =	task [dreg:s8], $0x5FFFF  }
0xb2: {  	[dreg:$0x1] =	wrdreg $0xFFFFFFFF  }
0xb3: {  	[dreg:$0x0] =	wrdreg $0x60  }
0xb4: {  	[dreg:$0x2] =	wrdreg s24  }
0xb5: {  	[dreg:$0x3] =	wrdreg s17  }
0xb6: {  	[dreg:$0x4] =	wrdreg s16  }
0xb7: {  	[dreg:$0x5] =	wrdreg $0xA000  }
0xb8: {  	[dreg:$0x6] =	wrdreg $0x9  }
0xb9: {  	_ =	task.clear_ibuf [dreg:s8], $0x7FFFF;
	_ =	strace $0x90000046  }
0xba: {  	s29 =	simm.s32 $0x9;
	_ =	strace $0x80000048  }
0xbb: {  	_ =	swait.ge [sflag:s29], $0x1  }
0xbc: {  	[sflag:s29] =	ssyncadd.s32 $0xFFFFFFFF  }
0xbd: {  	_ =	strace $0x90000048  }
0xbe: {  	_ =	sfence  }
0xbf: {  	s30 =	sld [smem:$0x0];
	_ =	sdelay $0x2  }
0xc0: {  	s31 =	sshll.u32 s1, $0xD;
	s1 =	sshrl.u32 s1, $0x2  }
0xc1: {  	s3 =	sand.u32 $0x4000, s31;
	s1 =	sadd.s32 s1, s30  }
0xc2: {  	s0 =	sor.u32 s3, s0;
	s1 =	sshll.u32 s1, $0x11  }
0xc3: {  	s0 =	sor.u32 s1, s0  }
0xc4: {  	s0 =	sadd.s32 $0x8F2B, s0  }
0xc5: {  	[sflag:s0] =	ssyncadd.remote.s32 $0x1  }
0xc6: {  	_ =	sfence.sel $0xFFFF  }
0xc7: {  	[dreg:$0x0] =	wrdreg $0xFFFFFFFF;
	(pc) =	sbr.abs _section_cstart, $3  }
0xc8: {  	[dreg:$0x1] =	wrdreg $0xFFFFFFFF  }
0xc9: {  	_ =	task.clear_ibuf [dreg:s8], $0x2FFFF;
	_ =	strace $0x9FFFFFFF  }
0xca: {  	(tm) =	ssettm $0x7FFFFFFF  }
0xcb: {  	_ =	shalt  }
tec
execute0_lowered:
.L_overlay_start_1:
0x0: {  	(tag) =	ssettag $0x1  }
0x1: {  	s23 =	rddreg [dreg:$0x0]  }
0x2: {  	s2 =	rddreg [dreg:$0x1]  }
0x3: {  	s5 =	rddreg [dreg:$0x2];
	s1 =	stileid.u32  }
0x4: {  	s3 =	rddreg [dreg:$0x3];
	s24 =	smul.u32 $0x280, s1  }
0x5: {  	s0 =	rddreg [dreg:$0x4];
	s4 =	simm.s32 $0x0  }
0x6: {  	[smem:$0x7FF] =	sst s4;
	s29 =	sshll.u32 s1, $0x6;
	s6 =	sshrl.u32 s24, $0x3  }
0x7: {  	_ =	strace $0x80000047;
	s7 =	sadd.s32 s24, s3;
	s5 =	sadd.s32 s5, s6  }
0x8: {  	s6 =	sor.u32 $0x1C01, s29;
	s8 =	sshrl.u32 s7, $0x3;
	s7 =	simm.s32 $0x1  }
0x9: {  	[spmem:s8], [sflag:s6] =	dma.local [hbm:s5], $0x50  }
0xa: {  	s9 =	srdreg.scid;
	_ =	swait.ge [sflag:s7], $0x50  }
0xb: {  	s22 =	sand.u32 $0x1, s9;
	s10 =	smul.u32 $0x500, s1;
	[sflag:s7] =	ssyncset.done $0x0  }
0xc: {  	s9 =	simm.s32 $0x500;
	s18 =	smul.u32 $0x27100, s22;
	[sflag:s7] =	ssyncadd.s32 $0xFFFFFFB0  }
0xd: {  	[tilespmem:s9], [sflag:$0x1] =	stream.linear.gather [hbm4b:s2+s4], $0x500, $0x38;
	[tilespmem:$0xC80] =	vst v63  }
0xe: {  	_ =	swait.ge [sflag:s7], $0x500  }
0xf: {  	s10 =	sadd.s32 s18, s10;
	[sflag:s7] =	ssyncset.done $0x0  }
0x10: {  	s19 =	sadd.s32 $0x1200, s23;
	s10 =	sshrl.u32 s10, $0x3;
	[sflag:s7] =	ssyncadd.s32 $0xFFFFFB00  }
0x11: {  	s11 =	simm.s32 $0x2;
	s10 =	sadd.s32 s19, s10;
	[bflag:$0x0] =	sbarrier.arrive $0xFFFF  }
0x12: {  	[tilespmem:s4], [sflag:$0x2] =	stream.linear.gather [hbm4b:s10+s4], $0x500, $0x38;
	[tilespmem:$0xC80] =	vst v63  }
0x13: {  	_ =	swait.ge [sflag:s11], $0x500  }
0x14: {  	[sflag:s11] =	ssyncset.done $0x0  }
0x15: {  	[sflag:s11] =	ssyncadd.s32 $0xFFFFFB00  }
0x16: {  	[spmem:s3] =	stream.indirect.scatter.add.f32 [tilespmem:s9], [sflag:$0x1], $0x1, s4, s9, $0xb8;
	[tilespmem:$0xC80] =	vst v63  }
0x17: {  	_ =	swait.ge [sflag:s7], $0x500  }
0x18: {  	[sflag:s7] =	ssyncset.done $0x0  }
0x19: {  	s12 =	sadd.s32 $0xA00, s10;
	[sflag:s7] =	ssyncadd.s32 $0xFFFFFB00  }
0x1a: {  	[tilespmem:s4], [sflag:$0x2] =	stream.linear.gather [hbm4b:s12+s4], $0x500, $0x38;
	[tilespmem:$0xC80] =	vst v63  }
0x1b: {  	_ =	swait.ge [sflag:s11], $0x500  }
0x1c: {  	[sflag:s11] =	ssyncset.done $0x0  }
0x1d: {  	[sflag:s11] =	ssyncadd.s32 $0xFFFFFB00  }
0x1e: {  	[spmem:s3] =	stream.indirect.scatter.add.f32 [tilespmem:s9], [sflag:$0x1], $0x1, s4, s9, $0xb8;
	[tilespmem:$0xC80] =	vst v63  }
0x1f: {  	_ =	swait.ge [sflag:s7], $0x500  }
0x20: {  	[sflag:s7] =	ssyncset.done $0x0  }
0x21: {  	s13 =	sadd.s32 $0x1400, s10;
	[sflag:s7] =	ssyncadd.s32 $0xFFFFFB00  }
0x22: {  	[tilespmem:s4], [sflag:$0x2] =	stream.linear.gather [hbm4b:s13+s4], $0x500, $0x38;
	[tilespmem:$0xC80] =	vst v63  }
0x23: {  	_ =	swait.ge [sflag:s11], $0x500  }
0x24: {  	[sflag:s11] =	ssyncset.done $0x0  }
0x25: {  	[sflag:s11] =	ssyncadd.s32 $0xFFFFFB00  }
0x26: {  	[spmem:s3] =	stream.indirect.scatter.add.f32 [tilespmem:s9], [sflag:$0x1], $0x1, s4, s9, $0xb8;
	[tilespmem:$0xC80] =	vst v63  }
0x27: {  	_ =	swait.ge [sflag:s7], $0x500  }
0x28: {  	[sflag:s7] =	ssyncset.done $0x0  }
0x29: {  	s14 =	sadd.s32 $0x1E00, s10;
	[sflag:s7] =	ssyncadd.s32 $0xFFFFFB00  }
0x2a: {  	[tilespmem:s4], [sflag:$0x2] =	stream.linear.gather [hbm4b:s14+s4], $0x500, $0x38;
	[tilespmem:$0xC80] =	vst v63  }
0x2b: {  	_ =	swait.ge [sflag:s11], $0x500  }
0x2c: {  	[sflag:s11] =	ssyncset.done $0x0  }
0x2d: {  	[sflag:s11] =	ssyncadd.s32 $0xFFFFFB00  }
0x2e: {  	[spmem:s3] =	stream.indirect.scatter.add.f32 [tilespmem:s9], [sflag:$0x1], $0x1, s4, s9, $0xb8;
	[tilespmem:$0xC80] =	vst v63  }
0x2f: {  	_ =	swait.ge [sflag:s7], $0x500  }
0x30: {  	[sflag:s7] =	ssyncset.done $0x0  }
0x31: {  	s15 =	sadd.s32 $0x2800, s10;
	[sflag:s7] =	ssyncadd.s32 $0xFFFFFB00  }
0x32: {  	[tilespmem:s4], [sflag:$0x2] =	stream.linear.gather [hbm4b:s15+s4], $0x500, $0x38;
	[tilespmem:$0xC80] =	vst v63  }
0x33: {  	_ =	swait.ge [sflag:s11], $0x500  }
0x34: {  	[sflag:s11] =	ssyncset.done $0x0  }
0x35: {  	[sflag:s11] =	ssyncadd.s32 $0xFFFFFB00  }
0x36: {  	[spmem:s3] =	stream.indirect.scatter.add.f32 [tilespmem:s9], [sflag:$0x1], $0x1, s4, s9, $0xb8;
	[tilespmem:$0xC80] =	vst v63  }
0x37: {  	_ =	swait.ge [sflag:s7], $0x500  }
0x38: {  	[sflag:s7] =	ssyncset.done $0x0  }
0x39: {  	s16 =	sadd.s32 $0x3200, s10;
	[sflag:s7] =	ssyncadd.s32 $0xFFFFFB00  }
0x3a: {  	[tilespmem:s4], [sflag:$0x2] =	stream.linear.gather [hbm4b:s16+s4], $0x500, $0x38;
	[tilespmem:$0xC80] =	vst v63  }
0x3b: {  	_ =	swait.ge [sflag:s11], $0x500  }
0x3c: {  	[sflag:s11] =	ssyncset.done $0x0  }
0x3d: {  	[sflag:s11] =	ssyncadd.s32 $0xFFFFFB00  }
0x3e: {  	[spmem:s3] =	stream.indirect.scatter.add.f32 [tilespmem:s9], [sflag:$0x1], $0x1, s4, s9, $0xb8;
	[tilespmem:$0xC80] =	vst v63  }
0x3f: {  	_ =	swait.ge [sflag:s7], $0x500  }
0x40: {  	[sflag:s7] =	ssyncset.done $0x0  }
0x41: {  	s17 =	sadd.s32 $0x3C00, s10;
	[sflag:s7] =	ssyncadd.s32 $0xFFFFFB00  }
0x42: {  	[tilespmem:s4], [sflag:$0x2] =	stream.linear.gather [hbm4b:s17+s4], $0x500, $0x38;
	[tilespmem:$0xC80] =	vst v63  }
0x43: {  	s20 =	sor.u32 $0x70, s1;
	_ =	swait.ge [sflag:s11], $0x500  }
0x44: {  	s21 =	smul.u32 $0x500, s20;
	p0 =	sgt.u32 s20, $0x7C;
	[sflag:s11] =	ssyncset.done $0x0  }
0x45: {  	s25 =	smul.u32 $0x2800, s22;
	s26 =	ssub.s32 $0x2, s22;
	[sflag:s11] =	ssyncadd.s32 $0xFFFFFB00  }
0x46: {  	[spmem:s3] =	stream.indirect.scatter.add.f32 [tilespmem:s9], [sflag:$0x1], $0x1, s4, s9, $0xb8;
	[tilespmem:$0xC80] =	vst v63  }
0x47: {  	s20 =	simm.s32 @!p0 $0x2;
	s18 =	sadd.s32 s18, s21;
	_ =	swait.ge [sflag:s7], $0x500  }
0x48: {  	s22 =	simm.s32 @!p0 $0x1;
	s18 =	sshrl.u32 s18, $0x3;
	[sflag:s7] =	ssyncset.done $0x0  }
0x49: {  	s18 =	sadd.s32 s19, s18;
	s19 =	simm.s32 @!p0 $0x0;
	[sflag:s7] =	ssyncadd.s32 $0xFFFFFB00  }
0x4a: {  	[tilespmem:s19], [sflag:$0x2] =	stream.linear.gather @!p0 [hbm4b:s18+s19], $0x500, $0x38;
	[tilespmem:$0xC80] =	vst v63  }
0x4b: {  	s30 =	sshrl.u32 s26, $0x1;
	s21 =	simm.s32 @!p0 $0x500;
	_ =	swait.ge @!p0 [sflag:s20], $0x500  }
0x4c: {  	s24 =	sadd.s32 s24, s25;
	s25 =	ssub.s32 s26, s30;
	[sflag:s20] =	ssyncset.done @!p0 $0x0  }
0x4d: {  	s24 =	sshrl.u32 s24, $0x3;
	s31 =	smax.u32 s25, $0x1;
	[sflag:s20] =	ssyncadd.s32 @!p0 $0xFFFFFB00  }
0x4e: {  	[spmem:s3] =	stream.indirect.scatter.add.f32 @!p0 [tilespmem:s21], [sflag:$0x1], $0x1, s19, s21, $0xb8;
	[tilespmem:$0xC80] =	vst v63  }
0x4f: {  	s23 =	sadd.s32 s24, s23;
	s24 =	sadd.s32 $0xFFFFFFFF, s31;
	_ =	swait.ge @!p0 [sflag:s22], $0x500  }
0x50: {  	p1 =	sne.s32 s24, $0x0;
	[sflag:s22] =	ssyncset.done @!p0 $0x0  }
.Ltmp0:
0x51: {  	[sflag:s22] =	ssyncadd.s32 @!p0 $0xFFFFFB00;
	(pc) =	sbr.rel @!p1 .LBB2_2-.Ltmp0, $4  }
0x52: {  	s23 =	sadd.s32 $0x14E00, s23;
	[bflag:$0x0] =	sbarrier.arrive $0xFFFF  }
0x53: {  	[hbm:s23], [sflag:s6] =	dma.local [spmem:s8], $0x50  }
0x54: {  	_ =	swait.ge [sflag:s7], $0x50  }
0x55: {  	[sflag:s7] =	ssyncset.done $0x0  }
.LBB2_1:
0x56: {  	s24 =	sadd.s32 $0xFFFFFFFF, s24;
	[sflag:s7] =	ssyncadd.s32 $0xFFFFFFB0  }
0x57: {  	[spmem:s8], [sflag:s6] =	dma.local [hbm:s5], $0x50  }
0x58: {  	p1 =	sne.s32 s24, $0x0;
	_ =	swait.ge [sflag:s7], $0x50  }
0x59: {  	[sflag:s7] =	ssyncset.done $0x0  }
0x5a: {  	[sflag:s7] =	ssyncadd.s32 $0xFFFFFFB0  }
0x5b: {  	[tilespmem:s9], [sflag:$0x1] =	stream.linear.gather [hbm4b:s2+s4], $0x500, $0x38;
	[tilespmem:$0xC80] =	vst v63  }
0x5c: {  	_ =	swait.ge [sflag:s7], $0x500  }
0x5d: {  	[sflag:s7] =	ssyncset.done $0x0  }
0x5e: {  	[sflag:s7] =	ssyncadd.s32 $0xFFFFFB00  }
0x5f: {  	[bflag:$0x0] =	sbarrier.arrive $0xFFFF  }
0x60: {  	[tilespmem:s4], [sflag:$0x2] =	stream.linear.gather [hbm4b:s10+s4], $0x500, $0x38;
	[tilespmem:$0xC80] =	vst v63  }
0x61: {  	_ =	swait.ge [sflag:s11], $0x500  }
0x62: {  	[sflag:s11] =	ssyncset.done $0x0  }
0x63: {  	[sflag:s11] =	ssyncadd.s32 $0xFFFFFB00  }
0x64: {  	[spmem:s3] =	stream.indirect.scatter.add.f32 [tilespmem:s9], [sflag:$0x1], $0x1, s4, s9, $0xb8;
	[tilespmem:$0xC80] =	vst v63  }
0x65: {  	_ =	swait.ge [sflag:s7], $0x500  }
0x66: {  	[sflag:s7] =	ssyncset.done $0x0  }
0x67: {  	[sflag:s7] =	ssyncadd.s32 $0xFFFFFB00  }
0x68: {  	[tilespmem:s4], [sflag:$0x2] =	stream.linear.gather [hbm4b:s12+s4], $0x500, $0x38;
	[tilespmem:$0xC80] =	vst v63  }
0x69: {  	_ =	swait.ge [sflag:s11], $0x500  }
0x6a: {  	[sflag:s11] =	ssyncset.done $0x0  }
0x6b: {  	[sflag:s11] =	ssyncadd.s32 $0xFFFFFB00  }
0x6c: {  	[spmem:s3] =	stream.indirect.scatter.add.f32 [tilespmem:s9], [sflag:$0x1], $0x1, s4, s9, $0xb8;
	[tilespmem:$0xC80] =	vst v63  }
0x6d: {  	_ =	swait.ge [sflag:s7], $0x500  }
0x6e: {  	[sflag:s7] =	ssyncset.done $0x0  }
0x6f: {  	[sflag:s7] =	ssyncadd.s32 $0xFFFFFB00  }
0x70: {  	[tilespmem:s4], [sflag:$0x2] =	stream.linear.gather [hbm4b:s13+s4], $0x500, $0x38;
	[tilespmem:$0xC80] =	vst v63  }
0x71: {  	_ =	swait.ge [sflag:s11], $0x500  }
0x72: {  	[sflag:s11] =	ssyncset.done $0x0  }
0x73: {  	[sflag:s11] =	ssyncadd.s32 $0xFFFFFB00  }
0x74: {  	[spmem:s3] =	stream.indirect.scatter.add.f32 [tilespmem:s9], [sflag:$0x1], $0x1, s4, s9, $0xb8;
	[tilespmem:$0xC80] =	vst v63  }
0x75: {  	_ =	swait.ge [sflag:s7], $0x500  }
0x76: {  	[sflag:s7] =	ssyncset.done $0x0  }
0x77: {  	[sflag:s7] =	ssyncadd.s32 $0xFFFFFB00  }
0x78: {  	[tilespmem:s4], [sflag:$0x2] =	stream.linear.gather [hbm4b:s14+s4], $0x500, $0x38;
	[tilespmem:$0xC80] =	vst v63  }
0x79: {  	_ =	swait.ge [sflag:s11], $0x500  }
0x7a: {  	[sflag:s11] =	ssyncset.done $0x0  }
0x7b: {  	[sflag:s11] =	ssyncadd.s32 $0xFFFFFB00  }
0x7c: {  	[spmem:s3] =	stream.indirect.scatter.add.f32 [tilespmem:s9], [sflag:$0x1], $0x1, s4, s9, $0xb8;
	[tilespmem:$0xC80] =	vst v63  }
0x7d: {  	_ =	swait.ge [sflag:s7], $0x500  }
0x7e: {  	[sflag:s7] =	ssyncset.done $0x0  }
0x7f: {  	[sflag:s7] =	ssyncadd.s32 $0xFFFFFB00  }
0x80: {  	[tilespmem:s4], [sflag:$0x2] =	stream.linear.gather [hbm4b:s15+s4], $0x500, $0x38;
	[tilespmem:$0xC80] =	vst v63  }
0x81: {  	_ =	swait.ge [sflag:s11], $0x500  }
0x82: {  	[sflag:s11] =	ssyncset.done $0x0  }
0x83: {  	[sflag:s11] =	ssyncadd.s32 $0xFFFFFB00  }
0x84: {  	[spmem:s3] =	stream.indirect.scatter.add.f32 [tilespmem:s9], [sflag:$0x1], $0x1, s4, s9, $0xb8;
	[tilespmem:$0xC80] =	vst v63  }
0x85: {  	_ =	swait.ge [sflag:s7], $0x500  }
0x86: {  	[sflag:s7] =	ssyncset.done $0x0  }
0x87: {  	[sflag:s7] =	ssyncadd.s32 $0xFFFFFB00  }
0x88: {  	[tilespmem:s4], [sflag:$0x2] =	stream.linear.gather [hbm4b:s16+s4], $0x500, $0x38;
	[tilespmem:$0xC80] =	vst v63  }
0x89: {  	_ =	swait.ge [sflag:s11], $0x500  }
0x8a: {  	[sflag:s11] =	ssyncset.done $0x0  }
0x8b: {  	[sflag:s11] =	ssyncadd.s32 $0xFFFFFB00  }
0x8c: {  	[spmem:s3] =	stream.indirect.scatter.add.f32 [tilespmem:s9], [sflag:$0x1], $0x1, s4, s9, $0xb8;
	[tilespmem:$0xC80] =	vst v63  }
0x8d: {  	_ =	swait.ge [sflag:s7], $0x500  }
0x8e: {  	[sflag:s7] =	ssyncset.done $0x0  }
0x8f: {  	[sflag:s7] =	ssyncadd.s32 $0xFFFFFB00  }
0x90: {  	[tilespmem:s4], [sflag:$0x2] =	stream.linear.gather [hbm4b:s17+s4], $0x500, $0x38;
	[tilespmem:$0xC80] =	vst v63  }
0x91: {  	_ =	swait.ge [sflag:s11], $0x500  }
0x92: {  	[sflag:s11] =	ssyncset.done $0x0  }
0x93: {  	[sflag:s11] =	ssyncadd.s32 $0xFFFFFB00  }
0x94: {  	[spmem:s3] =	stream.indirect.scatter.add.f32 [tilespmem:s9], [sflag:$0x1], $0x1, s4, s9, $0xb8;
	[tilespmem:$0xC80] =	vst v63  }
0x95: {  	_ =	swait.ge [sflag:s7], $0x500  }
0x96: {  	[sflag:s7] =	ssyncset.done $0x0  }
0x97: {  	[sflag:s7] =	ssyncadd.s32 $0xFFFFFB00  }
0x98: {  	[tilespmem:s19], [sflag:$0x2] =	stream.linear.gather @!p0 [hbm4b:s18+s19], $0x500, $0x38;
	[tilespmem:$0xC80] =	vst v63  }
0x99: {  	_ =	swait.ge @!p0 [sflag:s20], $0x500  }
0x9a: {  	[sflag:s20] =	ssyncset.done @!p0 $0x0  }
0x9b: {  	[sflag:s20] =	ssyncadd.s32 @!p0 $0xFFFFFB00  }
0x9c: {  	[spmem:s3] =	stream.indirect.scatter.add.f32 @!p0 [tilespmem:s21], [sflag:$0x1], $0x1, s19, s21, $0xb8;
	[tilespmem:$0xC80] =	vst v63  }
0x9d: {  	_ =	swait.ge @!p0 [sflag:s22], $0x500  }
0x9e: {  	[sflag:s22] =	ssyncset.done @!p0 $0x0  }
.Ltmp1:
0x9f: {  	[sflag:s22] =	ssyncadd.s32 @!p0 $0xFFFFFB00;
	(pc) =	sbr.rel @p1 .LBB2_1-.Ltmp1, $4  }
0xa0: {  	[bflag:$0x0] =	sbarrier.arrive $0xFFFF  }
0xa1: {  	[hbm:s23], [sflag:s6] =	dma.local [spmem:s8], $0x50  }
0xa2: {  	_ =	swait.ge [sflag:s7], $0x50  }
0xa3: {  	[sflag:s7] =	ssyncset.done $0x0  }
.LBB2_2:
0xa4: {  	[sflag:s7] =	ssyncadd.s32 $0xFFFFFFB0  }
0xa5: {  	_ =	sfence.sel $0x180000  }
0xa6: {  	[bflag:$0x0] =	sbarrier.arrive $0xFFFF  }
0xa7: {  	p0 =	sne.s32 s1, $0x0;
	_ =	strace $0x90000047  }
0xa8: {  	s0 =	sadd.s32 @!p0 $0x100000, s0;
	[bflag:$0x2] =	sbarrier.arrive $0xFFFF  }
0xa9: {  	[sflag:s0] =	ssyncadd.tile.s32 @!p0 $0x1;
	_ =	shalt  }
.Lfunc_end2:
_tile_overlayer_lowered:
.L_overlay_start_2:
0xaa: {  	(tag) =	ssettag $0x2  }
0xab: {  	s0 =	rddreg [dreg:$0x0];
	s2 =	stileid.u32  }
0xac: {  	s1 =	rddreg [dreg:$0x1];
	p0 =	sne.s32 s2, $0x0  }
0xad: {  	s3 =	rddreg [dreg:$0x2];
	[bflag:$0x3] =	sbarrier.arrive $0xFFFF;
	s2 =	simm.s32 @!p0 $0x1C01  }
0xae: {  	[timem:s3], [sflag:s2] =	dma.local @!p0 [hbm:s0], s1  }
0xaf: {  	s0 =	simm.s32 @!p0 $0x1  }
0xb0: {  	_ =	swait.ge @!p0 [sflag:s0], s1  }
0xb1: {  	s1 =	ssub.s32 @!p0 $0x0, s1;
	[sflag:s0] =	ssyncset.done @!p0 $0x0  }
0xb2: {  	[sflag:s0] =	ssyncadd.s32 @!p0 s1  }
0xb3: {  	[bflag:$0x3] =	sbarrier.arrive $0xFFFF  }
0xb4: {  	_ =	shalt  }

// kernel: kernel.9.cloned.1.call-start
scs
__scs_entry_jumppad:
0x0: {  	(pc) =	sbr.rel $0x88, $3  }
0x1: {  	(tag) =	ssettag $0x0;
	lr =	simm.s32 $0x1  }
0x2: {  	[smem:$0x3F97] =	sst lr;
	_ =	strace $0xD0000000  }
0x3: {  	_ = 	snop  }
0x4: {  	_ = 	snop  }
0x5: {  	_ = 	snop  }
0x6: {  	_ = 	snop  }
0x7: {  	_ = 	snop  }
__scs_overlays_trampoline_lowered:
0x8: {  	[smem:$0x3FA6] =	sst s0  }
0x9: {  	[smem:$0x3FA7] =	sst s1  }
0xa: {  	[smem:$0x3FA8] =	sst s2  }
0xb: {  	[smem:$0x3FA9] =	sst s3  }
0xc: {  	[smem:$0x3FAA] =	sst s4  }
0xd: {  	[smem:$0x3FAB] =	sst s5  }
0xe: {  	[smem:$0x3FAC] =	sst s6  }
0xf: {  	[smem:$0x3FAD] =	sst s7  }
0x10: {  	[smem:$0x3FAE] =	sst s8  }
0x11: {  	[smem:$0x3FAF] =	sst s9;
	s0 =	simm.s32 @!p0 $0x0  }
0x12: {  	s1 =	sld [smem:$0x3F95];
	s0 =	simm.s32 @p0 $0x1  }
0x13: {  	[smem:$0x3FB0] =	sst s0;
	s0 =	simm.s32 @!p1 $0x0  }
0x14: {  	s2 =	sld [smem:$0x3F94];
	s0 =	simm.s32 @p1 $0x1  }
0x15: {  	[smem:$0x3FB1] =	sst s0;
	s0 =	simm.s32 @!p2 $0x0  }
0x16: {  	s3 =	sld [smem:$0x3FDB];
	s0 =	simm.s32 @p2 $0x1  }
0x17: {  	s4 =	simm.s32 $0x1BF5;
	[smem:$0x3FB3] =	sst s0  }
0x18: {  	s0 =	sld [smem:$0x3F96];
	_ =	swait.ge [sflag:s4], $0x0  }
0x19: {  	s7 =	sld [smem:$0x3F97]  }
0x1a: {  	s8 =	sadd.s32 $0xFFFFE003, lr  }
0x1b: {  	s9 =	sadd.s32 $0xFFFFFEF7, lr;
	s5 =	simm.s32 $0xFFFFFFFF;
	p2 =	slt.u32 s8, $0xFFFFF086  }
0x1c: {  	p1 =	slt.u32 s9, $0xF7A;
	s5 =	simm.s32 @!p2 $0x0  }
0x1d: {  	s5 =	simm.s32 @p1 $0x1;
	p0 =	seq.s32 s7, s2  }
0x1e: {  	s7 =	smul.u32 @!p0 $0xF7A, s2;
	p2 =	seq.s32 @!p0 s5, $0x0  }
0x1f: {  	s9 =	smul.u32 $0xF7A, s1;
	s8 =	simm.s32 @!p0 $0x1BF5;
	p2 =	por !p2, p0  }
0x20: {  	[sflag:s8] =	ssyncset.s32 @!p0 $0xFFFFF086;
	s6 =	sadd.s32 @!p0 s3, s7;
	s7 =	simm.s32 @!p0 $0x108  }
0x21: {  	s3 =	sadd.s32 s3, s9;
	s6 =	sadd.s32 @!p0 $0x88, s6;
	s7 =	simm.s32 @p2 $0x1082  }
0x22: {  	[simem:s7], [sflag:s8] =	dma.local @!p0 [hbm:s6], $0xF7A  }
0x23: {  	s9 =	sor.u32 $0xD0000000, s2;
	s6 =	simm.s32 $0x108;
	_ =	swait.ge @!p0 [sflag:s8], $0x0  }
0x24: {  	s3 =	sadd.s32 $0x88, s3;
	s6 =	simm.s32 @!p1 $0x1082;
	[sflag:s4] =	ssyncset.s32 $0xFFFFF086  }
0x25: {  	[simem:s6], [sflag:s4] =	dma.local [hbm:s3], $0xF7A  }
0x26: {  	[smem:$0x3F97] =	sst s1;
	(tag) =	ssettag s2;
	_ =	strace s9  }
0x27: {  	s1 =	sld [smem:$0x3FA7]  }
0x28: {  	s2 =	sld [smem:$0x3FA8]  }
0x29: {  	s4 =	sld [smem:$0x3FAA]  }
0x2a: {  	p0 =	seq.s32 s5, $0x0;
	s5 =	sld [smem:$0x3FAB]  }
0x2b: {  	s6 =	sld [smem:$0x3FAC]  }
0x2c: {  	s7 =	sld [smem:$0x3FAD]  }
0x2d: {  	s3 =	simm.s32 $0x108;
	s8 =	sld [smem:$0x3FAE]  }
0x2e: {  	s3 =	simm.s32 @!p0 $0x1082;
	s9 =	sld [smem:$0x3FAF]  }
0x2f: {  	lr =	sadd.s32 s0, s3;
	s0 =	sld [smem:$0x3FA6]  }
0x30: {  	s3 =	sld [smem:$0x3FA9]  }
0x31: {  	[smem:$0x3FB2] =	sst s10  }
0x32: {  	s10 =	sld [smem:$0x3FB0];
	_ =	sdelay $0x3  }
0x33: {  	p0 =	seq.s32 s10, $0x1;
	s10 =	sld [smem:$0x3FB2];
	_ =	sdelay $0x3  }
0x34: {  	[smem:$0x3FB2] =	sst s10  }
0x35: {  	s10 =	sld [smem:$0x3FB1];
	_ =	sdelay $0x3  }
0x36: {  	p1 =	seq.s32 s10, $0x1;
	s10 =	sld [smem:$0x3FB2];
	_ =	sdelay $0x3  }
0x37: {  	[smem:$0x3FB2] =	sst s10  }
0x38: {  	s10 =	sld [smem:$0x3FB3]  }
0x39: {  	_ = 	snop;
	(pc) =	sbr.ind lr, $3  }
0x3a: {  	_ = 	snop  }
0x3b: {  	_ = 	snop  }
0x3c: {  	p2 =	seq.s32 s10, $0x1;
	s10 =	sld [smem:$0x3FB2]  }
0x3d: {  	_ =	shalt  }
0x3e: {  	_ =	shalt  }
0x3f: {  	_ =	shalt  }
0x40: {  	_ =	shalt  }
0x41: {  	_ =	shalt  }
0x42: {  	_ =	shalt  }
0x43: {  	_ =	shalt  }
0x44: {  	_ =	shalt  }
0x45: {  	_ =	shalt  }
0x46: {  	_ =	shalt  }
0x47: {  	_ =	shalt  }
0x48: {  	_ =	shalt  }
0x49: {  	_ =	shalt  }
0x4a: {  	_ =	shalt  }
0x4b: {  	_ =	shalt  }
0x4c: {  	_ =	shalt  }
0x4d: {  	_ =	shalt  }
0x4e: {  	_ =	shalt  }
0x4f: {  	_ =	shalt  }
0x50: {  	_ =	shalt  }
0x51: {  	_ =	shalt  }
0x52: {  	_ =	shalt  }
0x53: {  	_ =	shalt  }
0x54: {  	_ =	shalt  }
0x55: {  	_ =	shalt  }
0x56: {  	_ =	shalt  }
0x57: {  	_ =	shalt  }
0x58: {  	_ =	shalt  }
0x59: {  	_ =	shalt  }
0x5a: {  	_ =	shalt  }
0x5b: {  	_ =	shalt  }
0x5c: {  	_ =	shalt  }
0x5d: {  	_ =	shalt  }
0x5e: {  	_ =	shalt  }
0x5f: {  	_ =	shalt  }
0x60: {  	_ =	shalt  }
0x61: {  	_ =	shalt  }
0x62: {  	_ =	shalt  }
0x63: {  	_ =	shalt  }
0x64: {  	_ =	shalt  }
0x65: {  	_ =	shalt  }
0x66: {  	_ =	shalt  }
0x67: {  	_ =	shalt  }
0x68: {  	_ =	shalt  }
0x69: {  	_ =	shalt  }
0x6a: {  	_ =	shalt  }
0x6b: {  	_ =	shalt  }
0x6c: {  	_ =	shalt  }
0x6d: {  	_ =	shalt  }
0x6e: {  	_ =	shalt  }
0x6f: {  	_ =	shalt  }
0x70: {  	_ =	shalt  }
0x71: {  	_ =	shalt  }
0x72: {  	_ =	shalt  }
0x73: {  	_ =	shalt  }
0x74: {  	_ =	shalt  }
0x75: {  	_ =	shalt  }
0x76: {  	_ =	shalt  }
0x77: {  	_ =	shalt  }
0x78: {  	_ =	shalt  }
0x79: {  	_ =	shalt  }
0x7a: {  	_ =	shalt  }
0x7b: {  	_ =	shalt  }
0x7c: {  	_ =	shalt  }
0x7d: {  	_ =	shalt  }
0x7e: {  	_ =	shalt  }
0x7f: {  	_ =	shalt  }
0x80: {  	_ =	shalt  }
0x81: {  	_ =	shalt  }
0x82: {  	_ =	shalt  }
0x83: {  	_ =	shalt  }
0x84: {  	_ =	shalt  }
0x85: {  	_ =	shalt  }
0x86: {  	_ =	shalt  }
0x87: {  	_ =	shalt  }
.Lfunc_end0:
.L_simem_size_0:
called_computation.1_lowered:
.L_overlay_start_0:
0x88: {  	s2 =	sld [smem:$0x3FD9]  }
0x89: {  	s3 =	sld [smem:$0x3FFE];
	_ =	sdelay $0x1  }
0x8a: {  	s1 =	srdreg.scid  }
0x8b: {  	s0 =	sand.u32 $0x1, s1  }
0x8c: {  	s16 =	sshll.u32 s0, $0xA;
	s2 =	sadd.s32 s3, s2  }
0x8d: {  	s2 =	sadd.s32 s2, s16  }
0x8e: {  	[smem:$0x3FBE] =	sst s2  }
0x8f: {  	_ = 	snop  }
0x90: {  	(tm) =	ssettm $0x1  }
0x91: {  	s17 =	sld [smem:$0x3FFB];
	_ =	sdelay $0x3  }
0x92: {  	_ =	strace s17  }
0x93: {  	s2 =	sld [smem:$0x3FFC];
	_ =	sdelay $0x3  }
0x94: {  	_ =	strace s2  }
0x95: {  	s2 =	sld [smem:$0x3FFD];
	_ =	sdelay $0x3  }
0x96: {  	_ =	strace s2  }
0x97: {  	_ =	strace $0x8FFFFFFF  }
0x98: {  	s18 =	sld [smem:$0x3FDB];
	_ =	sdelay $0x1  }
0x99: {  	s19 =	simm.s32 $_scs_section_size  }
0x9a: {  	s4 =	simm.s32 $_size__tile_overlayer_lowered;
	s5 =	simm.s32 $_tile_overlayer_lowered  }
0x9b: {  	s22 =	simm.s32 $0x1BFF;
	s21 =	sshll.u32 s5, $0x1;
	s2 =	sadd.s32 s19, s18  }
0x9c: {  	s6 =	simm.s32 $0x0;
	s20 =	sshll.u32 s4, $0x1;
	s4 =	sadd.s32 s21, s2  }
0x9d: {  	[timem:s6], [sflag:s22] =	dma.local [hbm:s4], s20  }
0x9e: {  	_ =	swait.ge [sflag:s22], s20  }
0x9f: {  	s3 =	ssub.s32 $0x0, s20;
	[sflag:s22] =	ssyncset.done $0x0  }
0xa0: {  	[sflag:s22] =	ssyncadd.s32 s3;
	_ =	sdelay $0x1  }
0xa1: {  	s23 =	simm.s32 $0x1B8B  }
0xa2: {  	_ =	swait.ge [sflag:s23], $0x1  }
0xa3: {  	[sflag:s23] =	ssyncset.done $0x0  }
0xa4: {  	s25 =	simm.s32 $0x1B8E;
	s24 =	sld [smem:$0x3FFE];
	[sflag:s23] =	ssyncadd.s32 $0xFFFFFFFF  }
0xa5: {  	s26 =	simm.s32 $execute0_lowered;
	[smem:$0x3FD2] =	sst s25  }
0xa6: {  	s4 =	sshll.u32 s26, $0x1;
	_ =	strace $0x80000049;
	[dreg:$0x1] =	wrdreg $0xFFFFFFFF  }
0xa7: {  	s28 =	simm.s32 $_size_execute0_lowered;
	s2 =	sadd.s32 s2, s4;
	[dreg:$0x0] =	wrdreg $0x0  }
0xa8: {  	s4 =	sshll.u32 s28, $0x1;
	[dreg:$0x2] =	wrdreg s2  }
0xa9: {  	[dreg:$0x3] =	wrdreg s4  }
0xaa: {  	[dreg:$0x4] =	wrdreg $0xC0  }
0xab: {  	_ =	task [dreg:s6], $0x5FFFF  }
0xac: {  	[dreg:$0x1] =	wrdreg $0xFFFFFFFF  }
0xad: {  	[dreg:$0x0] =	wrdreg $0x60  }
0xae: {  	[dreg:$0x2] =	wrdreg s24  }
0xaf: {  	[dreg:$0x3] =	wrdreg $0x82000  }
0xb0: {  	[dreg:$0x4] =	wrdreg $0x9  }
0xb1: {  	_ =	task.clear_ibuf [dreg:s6], $0x5FFFF;
	_ =	strace $0x90000049  }
0xb2: {  	s29 =	simm.s32 $0x9;
	_ =	strace $0x8000004B  }
0xb3: {  	_ =	swait.ge [sflag:s29], $0x1  }
0xb4: {  	[sflag:s29] =	ssyncadd.s32 $0xFFFFFFFF  }
0xb5: {  	_ =	strace $0x9000004B  }
0xb6: {  	_ =	sfence  }
0xb7: {  	s30 =	sld [smem:$0x0];
	_ =	sdelay $0x2  }
0xb8: {  	s31 =	sshll.u32 s1, $0xD;
	s1 =	sshrl.u32 s1, $0x2  }
0xb9: {  	s3 =	sand.u32 $0x4000, s31;
	s1 =	sadd.s32 s1, s30  }
0xba: {  	s0 =	sor.u32 s3, s0;
	s1 =	sshll.u32 s1, $0x11  }
0xbb: {  	s0 =	sor.u32 s1, s0  }
0xbc: {  	s0 =	sadd.s32 $0x8F2B, s0  }
0xbd: {  	[sflag:s0] =	ssyncadd.remote.s32 $0x1  }
0xbe: {  	_ =	sfence.sel $0xFFFF  }
0xbf: {  	[dreg:$0x0] =	wrdreg $0xFFFFFFFF;
	(pc) =	sbr.abs _section_cstart, $3  }
0xc0: {  	[dreg:$0x1] =	wrdreg $0xFFFFFFFF  }
0xc1: {  	_ =	task.clear_ibuf [dreg:s6], $0x2FFFF;
	_ =	strace $0x9FFFFFFF  }
0xc2: {  	(tm) =	ssettm $0x7FFFFFFF  }
0xc3: {  	_ =	shalt  }
tec
execute0_lowered:
.L_overlay_start_1:
0x0: {  	(tag) =	ssettag $0x1  }
0x1: {  	s4 =	rddreg [dreg:$0x0]  }
0x2: {  	s1 =	rddreg [dreg:$0x1];
	s2 =	srdreg.scid  }
0x3: {  	s0 =	rddreg [dreg:$0x2];
	s16 =	stileid.u32;
	s15 =	simm.s32 $0x3  }
0x4: {  	s5 =	sand.u32 $0x1, s2;
	s2 =	simm.s32 $0x0;
	s6 =	smul.u32 $0x2800, s16  }
0x5: {  	s8 =	smul.u32 $0x50000, s16;
	s30 =	sshll.u32 s16, $0x6;
	s13 =	sshll.u32 s16, $0x5  }
0x6: {  	p0 =	sne.s32 s16, $0x0;
	s3 =	smul.u32 $0x4E20, s5;
	[smem:$0x7FF] =	sst s2  }
0x7: {  	s7 =	smul.u32 $0x28000, s5;
	s26 =	ssub.s32 $0x2, s5;
	_ =	strace $0x8000004A  }
0x8: {  	s10 =	sadd.s32 s6, s4;
	s28 =	sshrl.u32 s26, $0x1;
	s29 =	sshrl.u32 s8, $0x2  }
0x9: {  	s9 =	sadd.s32 s3, s4;
	s3 =	sadd.s32 $0x64E00, s4;
	s6 =	sadd.s32 s6, s7  }
0xa: {  	s12 =	ssub.s32 s26, s28;
	s14 =	sadd.s32 s29, s1;
	s7 =	sor.u32 $0x1C03, s30  }
0xb: {  	s11 =	sadd.s32 s6, s4;
	s4 =	smul.u32 $0x4E2, s5;
	s5 =	sadd.s32 $0x8C000, s10  }
0xc: {  	s6 =	sshll.u32 s16, $0x1;
	s13 =	sadd.s32 s13, s9;
	s10 =	smax.u32 s12, $0x1  }
0xd: {  	s14 =	sshrl.u32 s14, $0x3;
	s9 =	sadd.s32 $0xB4000, s11;
	s31 =	sadd.s32 s6, s4  }
0xe: {  	s11 =	sadd.s32 $0x1200, s13;
	s8 =	sadd.s32 $0x4E2, s4;
	s17 =	sadd.s32 $0x4E1, s31  }
0xf: {  	s12 =	sadd.s32 $0xB000, s13;
	s13 =	sadd.s32 $0xFFFFFFE0, s4;
	p1 =	sge.u32 s17, s8  }
.LBB2_1:
0x10: {  	[spmem:s14], [sflag:s7] =	dma.local [hbm:s5], $0x2800  }
0x11: {  	s16 =	sadd.s32 s6, s13  }
0x12: {  	_ =	swait.ge [sflag:s15], $0x2800;
	p3 =	slt.s32 s16, s4  }
0x13: {  	[sflag:s15] =	ssyncset.done $0x0;
	p2 =	sge.s32 @!p3 s16, s8  }
0x14: {  	[sflag:s15] =	ssyncadd.s32 $0xFFFFD800;
	p2 =	por p2, p3  }
0x15: {  	[bflag:$0x0] =	sbarrier.arrive $0xFFFF;
	s16 =	simm.s32 @!p2 $0x2  }
0x16: {  	_ =	swait.ge @!p2 [sflag:s16], $0x4000  }
0x17: {  	[sflag:s16] =	ssyncset.done @!p2 $0x0  }
0x18: {  	[sflag:s16] =	ssyncadd.s32 @!p2 $0xFFFFC000;
	s16 =	simm.s32 @!p3 $0x2  }
0x19: {  	_ =	swait.ge @!p3 [sflag:s16], $0x4000  }
0x1a: {  	p2 =	sgt.u32 s6, $0x4E1;
	[sflag:s16] =	ssyncset.done @!p3 $0x0  }
0x1b: {  	s17 =	simm.s32 @!p2 $0x0;
	[sflag:s16] =	ssyncadd.s32 @!p3 $0xFFFFC000;
	s16 =	sadd.s32 @!p2 $0x0, s12  }
0x1c: {  	[tilespmem:s17], [sflag:$0x3] =	stream.linear.gather @!p2 [hbm4b:s16+s17], $0x100, $0x38;
	[tilespmem:$0x1C200] =	vst v63  }
0x1d: {  	s16 =	simm.s32 @!p2 $0x3  }
0x1e: {  	_ =	swait.ge @!p2 [sflag:s16], $0x100  }
0x1f: {  	[sflag:s16] =	ssyncset.done @!p2 $0x0  }
0x20: {  	s18 =	sadd.s32 @!p2 $0x0, s11;
	s22 =	simm.s32 @!p2 $0x100;
	[sflag:s16] =	ssyncadd.s32 @!p2 $0xFFFFFF00  }
0x21: {  	[tilespmem:s22], [sflag:$0x3] =	stream.linear.gather @!p2 [hbm4b:s18+s17], $0x100, $0x38;
	[tilespmem:$0x1C200] =	vst v63  }
0x22: {  	_ =	swait.ge @!p2 [sflag:s16], $0x100  }
0x23: {  	[sflag:s16] =	ssyncset.done @!p2 $0x0  }
0x24: {  	s19 =	simm.s32 @!p2 $0x80;
	s18 =	simm.s32 @!p2 $0x200;
	[sflag:s16] =	ssyncadd.s32 @!p2 $0xFFFFFF00  }
0x25: {  	[tilespmem:s18], [sflag:$0x1] =	stream.indirect.gather @!p2 [hbm4b:s3+s19], $0x80, s17, s19, $0xb8;
	[tilespmem:$0x1C200] =	vst v63  }
0x26: {  	s20 =	simm.s32 @!p2 $0x4200;
	s21 =	simm.s32 @!p2 $0x1  }
0x27: {  	[tilespmem:s20], [sflag:$0x1] =	stream.indirect.gather @!p2 [hbm4b:s3+s19], $0x80, s19, s19, $0xb8;
	[tilespmem:$0x1C200] =	vst v63  }
0x28: {  	s16 =	sadd.s32 $0x20, s6;
	_ =	swait.ge @!p2 [sflag:s21], $0x4000  }
0x29: {  	s23 =	sadd.s32 s16, s13;
	[sflag:s21] =	ssyncset.done @!p2 $0x0  }
0x2a: {  	s17 =	simm.s32 $0x200;
	p4 =	slt.s32 s23, s4;
	[sflag:s21] =	ssyncadd.s32 @!p2 $0xFFFFC000  }
0x2b: {  	[spmem:s1] =	stream.indirect.scatter.add.f32 @!p2 [tilespmem:s18], [sflag:$0x2], $0x80, s22, s19, $0xb8;
	[tilespmem:$0x1C200] =	vst v63  }
0x2c: {  	p5 =	sge.s32 @!p4 s23, s8;
	s18 =	simm.s32 $0x400;
	_ =	swait.ge @!p2 [sflag:s21], $0x4000  }
.LBB2_2:
0x2d: {  	p5 =	por p5, p4  }
0x2e: {  	[sflag:s21] =	ssyncset.done @!p2 $0x0;
	s22 =	smov.u32 s18;
	s18 =	sadd.s32 $0x200, s18  }
0x2f: {  	s23 =	simm.s32 @!p5 $0x2;
	[sflag:s21] =	ssyncadd.s32 @!p2 $0xFFFFC000;
	s21 =	simm.s32 @!p2 $0x180  }
0x30: {  	[spmem:s1] =	stream.indirect.scatter.add.f32 @!p2 [tilespmem:s20], [sflag:$0x2], $0x80, s21, s19, $0xb8;
	[tilespmem:$0x1C200] =	vst v63  }
0x31: {  	p3 =	sne.s32 s18, $0x5000;
	_ =	swait.ge @!p5 [sflag:s23], $0x4000  }
0x32: {  	[sflag:s23] =	ssyncset.done @!p5 $0x0  }
0x33: {  	s19 =	simm.s32 @!p4 $0x2;
	[sflag:s23] =	ssyncadd.s32 @!p5 $0xFFFFC000  }
0x34: {  	_ =	swait.ge @!p4 [sflag:s19], $0x4000  }
0x35: {  	p2 =	sgt.u32 s16, $0x4E1;
	[sflag:s19] =	ssyncset.done @!p4 $0x0  }
0x36: {  	s20 =	simm.s32 @!p2 $0x0;
	[sflag:s19] =	ssyncadd.s32 @!p4 $0xFFFFC000;
	s19 =	sadd.s32 @!p2 s17, s12  }
0x37: {  	[tilespmem:s20], [sflag:$0x3] =	stream.linear.gather @!p2 [hbm4b:s19+s20], $0x100, $0x38;
	[tilespmem:$0x1C200] =	vst v63  }
0x38: {  	s19 =	simm.s32 @!p2 $0x3  }
0x39: {  	_ =	swait.ge @!p2 [sflag:s19], $0x100  }
0x3a: {  	[sflag:s19] =	ssyncset.done @!p2 $0x0  }
0x3b: {  	s23 =	simm.s32 @!p2 $0x100;
	s17 =	sadd.s32 @!p2 s17, s11;
	[sflag:s19] =	ssyncadd.s32 @!p2 $0xFFFFFF00  }
0x3c: {  	[tilespmem:s23], [sflag:$0x3] =	stream.linear.gather @!p2 [hbm4b:s17+s20], $0x100, $0x38;
	[tilespmem:$0x1C200] =	vst v63  }
0x3d: {  	s17 =	smov.u32 s22;
	_ =	swait.ge @!p2 [sflag:s19], $0x100  }
0x3e: {  	[sflag:s19] =	ssyncset.done @!p2 $0x0  }
0x3f: {  	s22 =	simm.s32 @!p2 $0x200;
	[sflag:s19] =	ssyncadd.s32 @!p2 $0xFFFFFF00;
	s19 =	simm.s32 @!p2 $0x80  }
0x40: {  	[tilespmem:s22], [sflag:$0x1] =	stream.indirect.gather @!p2 [hbm4b:s3+s19], $0x80, s20, s19, $0xb8;
	[tilespmem:$0x1C200] =	vst v63  }
0x41: {  	s21 =	simm.s32 @!p2 $0x1;
	s20 =	simm.s32 @!p2 $0x4200  }
0x42: {  	[tilespmem:s20], [sflag:$0x1] =	stream.indirect.gather @!p2 [hbm4b:s3+s19], $0x80, s19, s19, $0xb8;
	[tilespmem:$0x1C200] =	vst v63  }
.Ltmp0:
0x43: {  	s16 =	sadd.s32 $0x20, s16;
	_ =	swait.ge @!p2 [sflag:s21], $0x4000;
	(pc) =	sbr.rel @p3 .LBB2_2-.Ltmp0, $4  }
0x44: {  	s24 =	sadd.s32 s16, s13;
	[sflag:s21] =	ssyncset.done @!p2 $0x0  }
0x45: {  	p4 =	slt.s32 s24, s4;
	[sflag:s21] =	ssyncadd.s32 @!p2 $0xFFFFC000  }
0x46: {  	[spmem:s1] =	stream.indirect.scatter.add.f32 @!p2 [tilespmem:s22], [sflag:$0x2], $0x80, s23, s19, $0xb8;
	[tilespmem:$0x1C200] =	vst v63  }
0x47: {  	p5 =	sge.s32 @!p4 s24, s8;
	_ =	swait.ge @!p2 [sflag:s21], $0x4000  }
0x48: {  	p3 =	por p5, p4;
	[sflag:s21] =	ssyncset.done @!p2 $0x0  }
0x49: {  	s18 =	simm.s32 @!p3 $0x2;
	[sflag:s21] =	ssyncadd.s32 @!p2 $0xFFFFC000;
	s21 =	simm.s32 @!p2 $0x180  }
0x4a: {  	[spmem:s1] =	stream.indirect.scatter.add.f32 @!p2 [tilespmem:s20], [sflag:$0x2], $0x80, s21, s19, $0xb8;
	[tilespmem:$0x1C200] =	vst v63  }
0x4b: {  	_ =	swait.ge @!p3 [sflag:s18], $0x4000  }
0x4c: {  	[sflag:s18] =	ssyncset.done @!p3 $0x0  }
0x4d: {  	[sflag:s18] =	ssyncadd.s32 @!p3 $0xFFFFC000;
	s18 =	simm.s32 @!p4 $0x2  }
0x4e: {  	_ =	swait.ge @!p4 [sflag:s18], $0x4000  }
0x4f: {  	p2 =	sgt.u32 s16, $0x4E1;
	[sflag:s18] =	ssyncset.done @!p4 $0x0  }
0x50: {  	s16 =	sadd.s32 @!p2 s17, s12;
	[sflag:s18] =	ssyncadd.s32 @!p4 $0xFFFFC000;
	s18 =	simm.s32 @!p2 $0x0  }
0x51: {  	[tilespmem:s18], [sflag:$0x3] =	stream.linear.gather @!p2 [hbm4b:s16+s18], $0x100, $0x38;
	[tilespmem:$0x1C200] =	vst v63  }
0x52: {  	s16 =	simm.s32 @!p2 $0x3  }
0x53: {  	_ =	swait.ge @!p2 [sflag:s16], $0x100  }
0x54: {  	[sflag:s16] =	ssyncset.done @!p2 $0x0  }
0x55: {  	s17 =	sadd.s32 @!p2 s17, s11;
	s19 =	simm.s32 @!p2 $0x100;
	[sflag:s16] =	ssyncadd.s32 @!p2 $0xFFFFFF00  }
0x56: {  	[tilespmem:s19], [sflag:$0x3] =	stream.linear.gather @!p2 [hbm4b:s17+s18], $0x100, $0x38;
	[tilespmem:$0x1C200] =	vst v63  }
0x57: {  	_ =	swait.ge @!p2 [sflag:s16], $0x100  }
0x58: {  	[sflag:s16] =	ssyncset.done @!p2 $0x0  }
0x59: {  	s17 =	simm.s32 @!p2 $0x200;
	[sflag:s16] =	ssyncadd.s32 @!p2 $0xFFFFFF00;
	s16 =	simm.s32 @!p2 $0x80  }
0x5a: {  	[tilespmem:s17], [sflag:$0x1] =	stream.indirect.gather @!p2 [hbm4b:s3+s16], $0x80, s18, s16, $0xb8;
	[tilespmem:$0x1C200] =	vst v63  }
0x5b: {  	s20 =	simm.s32 @!p2 $0x1;
	s18 =	simm.s32 @!p2 $0x4200  }
0x5c: {  	[tilespmem:s18], [sflag:$0x1] =	stream.indirect.gather @!p2 [hbm4b:s3+s16], $0x80, s16, s16, $0xb8;
	[tilespmem:$0x1C200] =	vst v63  }
0x5d: {  	_ =	swait.ge @!p2 [sflag:s20], $0x4000  }
0x5e: {  	[sflag:s20] =	ssyncset.done @!p2 $0x0  }
0x5f: {  	[sflag:s20] =	ssyncadd.s32 @!p2 $0xFFFFC000  }
0x60: {  	[spmem:s1] =	stream.indirect.scatter.add.f32 @!p2 [tilespmem:s17], [sflag:$0x2], $0x80, s19, s16, $0xb8;
	[tilespmem:$0x1C200] =	vst v63  }
0x61: {  	_ =	swait.ge @!p2 [sflag:s20], $0x4000  }
0x62: {  	[sflag:s20] =	ssyncset.done @!p2 $0x0  }
0x63: {  	s17 =	simm.s32 @!p2 $0x180;
	[sflag:s20] =	ssyncadd.s32 @!p2 $0xFFFFC000  }
0x64: {  	[spmem:s1] =	stream.indirect.scatter.add.f32 @!p2 [tilespmem:s18], [sflag:$0x2], $0x80, s17, s16, $0xb8;
	[tilespmem:$0x1C200] =	vst v63  }
0x65: {  	s16 =	simm.s32 @!p0 $0x2  }
0x66: {  	_ =	swait.ge @!p0 [sflag:s16], $0x4000  }
0x67: {  	[sflag:s16] =	ssyncset.done @!p0 $0x0  }
0x68: {  	[sflag:s16] =	ssyncadd.s32 @!p0 $0xFFFFC000;
	s16 =	simm.s32 @!p1 $0x2  }
0x69: {  	_ =	swait.ge @!p1 [sflag:s16], $0x4000  }
0x6a: {  	s2 =	sadd.s32 $0x1, s2;
	[sflag:s16] =	ssyncset.done @!p1 $0x0  }
0x6b: {  	p2 =	sne.s32 s2, s10;
	[sflag:s16] =	ssyncadd.s32 @!p1 $0xFFFFC000  }
.Ltmp1:
0x6c: {  	[bflag:$0x0] =	sbarrier.arrive $0xFFFF;
	(pc) =	sbr.rel @p2 .LBB2_1-.Ltmp1, $4  }
0x6d: {  	[hbm:s9], [sflag:s7] =	dma.local [spmem:s14], $0x2800  }
0x6e: {  	_ =	swait.ge [sflag:s15], $0x2800  }
0x6f: {  	[sflag:s15] =	ssyncset.done $0x0  }
0x70: {  	[sflag:s15] =	ssyncadd.s32 $0xFFFFD800  }
0x71: {  	_ =	sfence.sel $0x180000  }
0x72: {  	[bflag:$0x0] =	sbarrier.arrive $0xFFFF  }
0x73: {  	_ =	strace $0x9000004A  }
0x74: {  	s0 =	sadd.s32 @!p0 $0x100000, s0;
	[bflag:$0x2] =	sbarrier.arrive $0xFFFF  }
0x75: {  	[sflag:s0] =	ssyncadd.tile.s32 @!p0 $0x1;
	_ =	shalt  }
.Lfunc_end2:
_tile_overlayer_lowered:
.L_overlay_start_2:
0x76: {  	(tag) =	ssettag $0x2  }
0x77: {  	s0 =	rddreg [dreg:$0x0];
	s2 =	stileid.u32  }
0x78: {  	s1 =	rddreg [dreg:$0x1];
	p0 =	sne.s32 s2, $0x0  }
0x79: {  	s3 =	rddreg [dreg:$0x2];
	[bflag:$0x3] =	sbarrier.arrive $0xFFFF;
	s2 =	simm.s32 @!p0 $0x1C03  }
0x7a: {  	[timem:s3], [sflag:s2] =	dma.local @!p0 [hbm:s0], s1  }
0x7b: {  	s0 =	simm.s32 @!p0 $0x3  }
0x7c: {  	_ =	swait.ge @!p0 [sflag:s0], s1  }
0x7d: {  	s1 =	ssub.s32 @!p0 $0x0, s1;
	[sflag:s0] =	ssyncset.done @!p0 $0x0  }
0x7e: {  	[sflag:s0] =	ssyncadd.s32 @!p0 s1  }
0x7f: {  	[bflag:$0x3] =	sbarrier.arrive $0xFFFF  }
0x80: {  	_ =	shalt  }

</sc_bundles>
